<compile_context>
chip_gen: v7x
topology: tpu7x:2x2x1
jax: 0.10.2.dev20260603
libtpu: 0.0.44.dev20260713+nightly
codegen_flags: <defaults>
</compile_context>

<pallas_src>
import functools

import jax
import jax.numpy as jnp
from jax import lax
from jax.experimental import pallas as pl
from jax.experimental.pallas import tpu as pltpu
from jax.experimental.pallas import tpu_sc as plsc


def _build_kernel(N, D, NW):
    n_w = N // NW
    IDXW = 128
    rows_idx = n_w // IDXW
    K = 5
    C = K * IDXW
    n_chunks = rows_idx // K

    mesh = plsc.VectorSubcoreMesh(core_axis_name="c", subcore_axis_name="s")

    @functools.partial(
        pl.kernel,
        mesh=mesh,
        out_type=jax.ShapeDtypeStruct((N, D), jnp.float32),
        compiler_params=pltpu.CompilerParams(use_tc_tiling_on_sc=False),
        scratch_types=[
            pltpu.VMEM((rows_idx, IDXW), jnp.int32),
            pltpu.VMEM((C, D), jnp.float32),
            pltpu.VMEM((C, D), jnp.float32),
            pltpu.SemaphoreType.DMA,
            pltpu.SemaphoreType.DMA,
        ],
    )
    def k(x_hbm, old_hbm, new_hbm, out_hbm, idx_v, rows_a, rows_b, sem_a, sem_b):
        wid = lax.axis_index("s") * 2 + lax.axis_index("c")
        base = wid * n_w
        pltpu.sync_copy(x_hbm.at[wid], idx_v)

        def chunk_body(c, carry):
            cps = []
            for kk in range(K):
                r = c * K + kk
                cps.append(pltpu.async_copy(
                    old_hbm.at[idx_v.at[r]],
                    rows_a.at[pl.ds(kk * IDXW, IDXW)], sem_a))
                cps.append(pltpu.async_copy(
                    new_hbm.at[idx_v.at[r]],
                    rows_b.at[pl.ds(kk * IDXW, IDXW)], sem_b))
            for cp in cps:
                cp.wait()

            def add_rows(i, carry2):
                for rr in range(16):
                    row = i * 16 + rr
                    for col in range(0, D, 16):
                        rows_a[row, pl.ds(col, 16)] = (
                            rows_a[row, pl.ds(col, 16)]
                            + rows_b[row, pl.ds(col, 16)])
                return carry2

            lax.fori_loop(0, C // 16, add_rows, 0)
            pltpu.sync_copy(rows_a, out_hbm.at[pl.ds(base + c * C, C)])
            return carry

        lax.fori_loop(0, n_chunks, chunk_body, 0)

    return k


def kernel(x, old_table, new_table):
    B, L = x.shape
    _, D = old_table.shape
    N = B * L
    NW = 32
    xf = x.reshape(-1).astype(jnp.int32).reshape(NW, N // NW // 128, 128)
    k = _build_kernel(N, D, NW)
    out = k(xf, old_table, new_table)
    return out.reshape(B, L, D)

# --- scband reference (transcript-rebuilt; emitter-appended) ---
"""Pipeline reference for scband-embedding-wrapper-37692632989882 (READ-ONLY COPY).

The authoritative reference and input builder live on the scoring server;
editing this copy changes nothing except your own understanding.
"""

import jax, jax.numpy as jnp
import numpy as np

V = 1000000        # num_embeddings (extended vocab)
V_OLD = 900000     # original embedding.num_embeddings
D = 64             # embedding_dim
B, L = 4096, 50


def setup_inputs(seed: int = 0) -> dict:
    key = jax.random.key(seed)
    k1, k2, k3 = jax.random.split(key, 3)
    # old_embeddings: zeros everywhere, original weights copied into rows [:V_OLD]
    old_w = jax.random.normal(k1, (V_OLD, D), dtype=jnp.float32)
    old_table = jnp.zeros((V, D), dtype=jnp.float32).at[:V_OLD].set(old_w)
    # new_embeddings: randomly initialized, rows [:V_OLD] zeroed
    new_table = jax.random.normal(k2, (V, D), dtype=jnp.float32)
    new_table = new_table.at[:V_OLD].set(0.0)
    x = jax.random.randint(k3, (B, L), 0, V, dtype=jnp.int64)
    return {"x": x, "old_table": old_table, "new_table": new_table}


def reference(x, old_table, new_table):
    # forward: old_embeddings(x) + new_embeddings(x)
    old_out = jnp.take(old_table, x, axis=0)
    new_out = jnp.take(new_table, x, axis=0)
    return old_out + new_out

if __name__ == "__main__":
    import jax
    _d = setup_inputs()
    print(jax.jit(kernel)(*tuple(_d.values())))

</pallas_src>

<mosaic_0001>
#map = affine_map<(d0, d1) -> (0, 0, 0)>
#map1 = affine_map<(d0, d1) -> (0, 0)>
module attributes {stable_mosaic.version = 14 : i64} {
  func.func @k(%arg0: i32, %arg1: i32, %arg2: memref<32x50x128xi32, #tpu.memory_space<hbm>>, %arg3: memref<1000000x64xf32, #tpu.memory_space<hbm>>, %arg4: memref<1000000x64xf32, #tpu.memory_space<hbm>>, %arg5: memref<204800x64xf32, #tpu.memory_space<hbm>>, %arg6: memref<50x128xi32, #tpu.memory_space<vmem>>, %arg7: memref<640x64xf32, #tpu.memory_space<vmem>>, %arg8: memref<640x64xf32, #tpu.memory_space<vmem>>, %arg9: memref<!tpu.dma_semaphore, #tpu.memory_space<semaphore_mem>>, %arg10: memref<!tpu.dma_semaphore, #tpu.memory_space<semaphore_mem>>) attributes {dimension_semantics = [#tpu.dimension_semantics<core_parallel>, #tpu.dimension_semantics<subcore_parallel>], iteration_bounds = array<i64: 2, 16>, scalar_prefetch = 0 : i64, scratch_operands = 5 : i64, tpu.core_type = #tpu.core_type<sc_vector_subcore>, window_params = [{transform_indices = #map}, {transform_indices = #map1}, {transform_indices = #map1}, {transform_indices = #map1}]} {
    %mul3A = arith.constant 2 : i32
    %mul3A_0 = arith.muli %arg1, %mul3A : i32
    %add3A = arith.addi %mul3A_0, %arg0 : i32
    %mul3A_1 = arith.constant 6400 : i32
    %mul3A_2 = arith.muli %add3A, %mul3A_1 : i32
    "tpu.region"() ({
      %run_scoped3A = tpu.sem_alloc : memref<!tpu.dma_semaphore, #tpu.memory_space<semaphore_mem>>
      %dma_start3A = arith.constant 0 : i32
      %dma_start3A_8 = arith.constant 0 : i32
      %dma_start3A_9 = tpu.memref_slice %arg2[%add3A, %dma_start3A, %dma_start3A_8] : memref<32x50x128xi32, #tpu.memory_space<hbm>> -> memref<1x50x128xi32, #tpu.memory_space<hbm>>
      %dma_start3A_10 = tpu.memref_squeeze %dma_start3A_9 : memref<1x50x128xi32, #tpu.memory_space<hbm>> -> memref<50x128xi32, #tpu.memory_space<hbm>>
      %dma_start3A_11 = arith.constant 0 : i32
      %dma_start3A_12 = arith.constant 0 : i32
      %dma_start3A_13 = tpu.memref_slice %arg2[%add3A, %dma_start3A_11, %dma_start3A_12] : memref<32x50x128xi32, #tpu.memory_space<hbm>> -> memref<1x50x128xi32, #tpu.memory_space<hbm>>
      %dma_start3A_14 = tpu.memref_squeeze %dma_start3A_13 : memref<1x50x128xi32, #tpu.memory_space<hbm>> -> memref<50x128xi32, #tpu.memory_space<hbm>>
      tpu.enqueue_dma source(%dma_start3A_14 : memref<50x128xi32, #tpu.memory_space<hbm>>) target(%arg6 : memref<50x128xi32, #tpu.memory_space<vmem>>) target_semaphore(%run_scoped3A : memref<!tpu.dma_semaphore, #tpu.memory_space<semaphore_mem>>)
      %dma_wait3A = arith.constant 0 : i32
      %dma_wait3A_15 = arith.constant 0 : i32
      %dma_wait3A_16 = tpu.memref_slice %arg2[%add3A, %dma_wait3A, %dma_wait3A_15] : memref<32x50x128xi32, #tpu.memory_space<hbm>> -> memref<1x50x128xi32, #tpu.memory_space<hbm>>
      %dma_wait3A_17 = tpu.memref_squeeze %dma_wait3A_16 : memref<1x50x128xi32, #tpu.memory_space<hbm>> -> memref<50x128xi32, #tpu.memory_space<hbm>>
      %dma_wait3A_18 = arith.constant 0 : i32
      %dma_wait3A_19 = arith.constant 0 : i32
      %dma_wait3A_20 = tpu.memref_slice %arg2[%add3A, %dma_wait3A_18, %dma_wait3A_19] : memref<32x50x128xi32, #tpu.memory_space<hbm>> -> memref<1x50x128xi32, #tpu.memory_space<hbm>>
      %dma_wait3A_21 = tpu.memref_squeeze %dma_wait3A_20 : memref<1x50x128xi32, #tpu.memory_space<hbm>> -> memref<50x128xi32, #tpu.memory_space<hbm>>
      tpu.wait_dma2 semaphore(%run_scoped3A : memref<!tpu.dma_semaphore, #tpu.memory_space<semaphore_mem>>) src(%dma_wait3A_21 : memref<50x128xi32, #tpu.memory_space<hbm>>) dst(%arg6 : memref<50x128xi32, #tpu.memory_space<vmem>>)
      tpu.yield
    }) : () -> ()
    %scan3A = arith.constant 0 : i32
    %scan3A_3 = arith.constant 0 : i32
    %scan3A_4 = arith.constant 10 : i32
    %scan3A_5 = arith.addi %scan3A_3, %scan3A_4 : i32
    %scan3A_6 = arith.constant 1 : i32
    scf.for %scan3A_8 = %scan3A_3 to %scan3A_5 step %scan3A_6  : i32 {
      %mul3A_9 = arith.constant 5 : i32
      %mul3A_10 = arith.muli %scan3A_8, %mul3A_9 : i32
      %add3A_11 = arith.constant 0 : i32
      %add3A_12 = arith.addi %mul3A_10, %add3A_11 : i32
      %dma_start3A = arith.constant 0 : i32
      %dma_start3A_13 = arith.constant 0 : i32
      %dma_start3A_14 = tpu.memref_slice %arg7[%dma_start3A, %dma_start3A_13] : memref<640x64xf32, #tpu.memory_space<vmem>> -> memref<128x64xf32, #tpu.memory_space<vmem>>
      %dma_start3A_15 = arith.constant 0 : i32
      %dma_start3A_16 = tpu.memref_slice %arg6[%add3A_12, %dma_start3A_15] : memref<50x128xi32, #tpu.memory_space<vmem>> -> memref<1x128xi32, #tpu.memory_space<vmem>>
      %dma_start3A_17 = tpu.memref_squeeze %dma_start3A_16 : memref<1x128xi32, #tpu.memory_space<vmem>> -> memref<128xi32, #tpu.memory_space<vmem>>
      %dma_start3A_18 = arith.constant 0 : i32
      %dma_start3A_19 = arith.constant 0 : i32
      %dma_start3A_20 = tpu.memref_slice %arg3[%dma_start3A_18, %dma_start3A_19] : memref<1000000x64xf32, #tpu.memory_space<hbm>> -> memref<1000000x64xf32, #tpu.memory_space<hbm>>
      tpu.enqueue_indirect_dma source(%dma_start3A_20 : memref<1000000x64xf32, #tpu.memory_space<hbm>>) target(%dma_start3A_14 : memref<128x64xf32, #tpu.memory_space<vmem>>) offsets(%dma_start3A_17 : memref<128xi32, #tpu.memory_space<vmem>>) semaphore(%arg9 : memref<!tpu.dma_semaphore, #tpu.memory_space<semaphore_mem>>)
      %dma_start3A_21 = arith.constant 0 : i32
      %dma_start3A_22 = arith.constant 0 : i32
      %dma_start3A_23 = tpu.memref_slice %arg8[%dma_start3A_21, %dma_start3A_22] : memref<640x64xf32, #tpu.memory_space<vmem>> -> memref<128x64xf32, #tpu.memory_space<vmem>>
      %dma_start3A_24 = arith.constant 0 : i32
      %dma_start3A_25 = tpu.memref_slice %arg6[%add3A_12, %dma_start3A_24] : memref<50x128xi32, #tpu.memory_space<vmem>> -> memref<1x128xi32, #tpu.memory_space<vmem>>
      %dma_start3A_26 = tpu.memref_squeeze %dma_start3A_25 : memref<1x128xi32, #tpu.memory_space<vmem>> -> memref<128xi32, #tpu.memory_space<vmem>>
      %dma_start3A_27 = arith.constant 0 : i32
      %dma_start3A_28 = arith.constant 0 : i32
      %dma_start3A_29 = tpu.memref_slice %arg4[%dma_start3A_27, %dma_start3A_28] : memref<1000000x64xf32, #tpu.memory_space<hbm>> -> memref<1000000x64xf32, #tpu.memory_space<hbm>>
      tpu.enqueue_indirect_dma source(%dma_start3A_29 : memref<1000000x64xf32, #tpu.memory_space<hbm>>) target(%dma_start3A_23 : memref<128x64xf32, #tpu.memory_space<vmem>>) offsets(%dma_start3A_26 : memref<128xi32, #tpu.memory_space<vmem>>) semaphore(%arg10 : memref<!tpu.dma_semaphore, #tpu.memory_space<semaphore_mem>>)
      %mul3A_30 = arith.constant 5 : i32
      %mul3A_31 = arith.muli %scan3A_8, %mul3A_30 : i32
      %add3A_32 = arith.constant 1 : i32
      %add3A_33 = arith.addi %mul3A_31, %add3A_32 : i32
      %dma_start3A_34 = arith.constant 128 : i32
      %dma_start3A_35 = arith.constant 0 : i32
      %dma_start3A_36 = tpu.memref_slice %arg7[%dma_start3A_34, %dma_start3A_35] : memref<640x64xf32, #tpu.memory_space<vmem>> -> memref<128x64xf32, #tpu.memory_space<vmem>>
      %dma_start3A_37 = arith.constant 0 : i32
      %dma_start3A_38 = tpu.memref_slice %arg6[%add3A_33, %dma_start3A_37] : memref<50x128xi32, #tpu.memory_space<vmem>> -> memref<1x128xi32, #tpu.memory_space<vmem>>
      %dma_start3A_39 = tpu.memref_squeeze %dma_start3A_38 : memref<1x128xi32, #tpu.memory_space<vmem>> -> memref<128xi32, #tpu.memory_space<vmem>>
      %dma_start3A_40 = arith.constant 0 : i32
      %dma_start3A_41 = arith.constant 0 : i32
      %dma_start3A_42 = tpu.memref_slice %arg3[%dma_start3A_40, %dma_start3A_41] : memref<1000000x64xf32, #tpu.memory_space<hbm>> -> memref<1000000x64xf32, #tpu.memory_space<hbm>>
      tpu.enqueue_indirect_dma source(%dma_start3A_42 : memref<1000000x64xf32, #tpu.memory_space<hbm>>) target(%dma_start3A_36 : memref<128x64xf32, #tpu.memory_space<vmem>>) offsets(%dma_start3A_39 : memref<128xi32, #tpu.memory_space<vmem>>) semaphore(%arg9 : memref<!tpu.dma_semaphore, #tpu.memory_space<semaphore_mem>>)
      %dma_start3A_43 = arith.constant 128 : i32
      %dma_start3A_44 = arith.constant 0 : i32
      %dma_start3A_45 = tpu.memref_slice %arg8[%dma_start3A_43, %dma_start3A_44] : memref<640x64xf32, #tpu.memory_space<vmem>> -> memref<128x64xf32, #tpu.memory_space<vmem>>
      %dma_start3A_46 = arith.constant 0 : i32
      %dma_start3A_47 = tpu.memref_slice %arg6[%add3A_33, %dma_start3A_46] : memref<50x128xi32, #tpu.memory_space<vmem>> -> memref<1x128xi32, #tpu.memory_space<vmem>>
      %dma_start3A_48 = tpu.memref_squeeze %dma_start3A_47 : memref<1x128xi32, #tpu.memory_space<vmem>> -> memref<128xi32, #tpu.memory_space<vmem>>
      %dma_start3A_49 = arith.constant 0 : i32
      %dma_start3A_50 = arith.constant 0 : i32
      %dma_start3A_51 = tpu.memref_slice %arg4[%dma_start3A_49, %dma_start3A_50] : memref<1000000x64xf32, #tpu.memory_space<hbm>> -> memref<1000000x64xf32, #tpu.memory_space<hbm>>
      tpu.enqueue_indirect_dma source(%dma_start3A_51 : memref<1000000x64xf32, #tpu.memory_space<hbm>>) target(%dma_start3A_45 : memref<128x64xf32, #tpu.memory_space<vmem>>) offsets(%dma_start3A_48 : memref<128xi32, #tpu.memory_space<vmem>>) semaphore(%arg10 : memref<!tpu.dma_semaphore, #tpu.memory_space<semaphore_mem>>)
      %mul3A_52 = arith.constant 5 : i32
      %mul3A_53 = arith.muli %scan3A_8, %mul3A_52 : i32
      %add3A_54 = arith.constant 2 : i32
      %add3A_55 = arith.addi %mul3A_53, %add3A_54 : i32
      %dma_start3A_56 = arith.constant 256 : i32
      %dma_start3A_57 = arith.constant 0 : i32
      %dma_start3A_58 = tpu.memref_slice %arg7[%dma_start3A_56, %dma_start3A_57] : memref<640x64xf32, #tpu.memory_space<vmem>> -> memref<128x64xf32, #tpu.memory_space<vmem>>
      %dma_start3A_59 = arith.constant 0 : i32
      %dma_start3A_60 = tpu.memref_slice %arg6[%add3A_55, %dma_start3A_59] : memref<50x128xi32, #tpu.memory_space<vmem>> -> memref<1x128xi32, #tpu.memory_space<vmem>>
      %dma_start3A_61 = tpu.memref_squeeze %dma_start3A_60 : memref<1x128xi32, #tpu.memory_space<vmem>> -> memref<128xi32, #tpu.memory_space<vmem>>
      %dma_start3A_62 = arith.constant 0 : i32
      %dma_start3A_63 = arith.constant 0 : i32
      %dma_start3A_64 = tpu.memref_slice %arg3[%dma_start3A_62, %dma_start3A_63] : memref<1000000x64xf32, #tpu.memory_space<hbm>> -> memref<1000000x64xf32, #tpu.memory_space<hbm>>
      tpu.enqueue_indirect_dma source(%dma_start3A_64 : memref<1000000x64xf32, #tpu.memory_space<hbm>>) target(%dma_start3A_58 : memref<128x64xf32, #tpu.memory_space<vmem>>) offsets(%dma_start3A_61 : memref<128xi32, #tpu.memory_space<vmem>>) semaphore(%arg9 : memref<!tpu.dma_semaphore, #tpu.memory_space<semaphore_mem>>)
      %dma_start3A_65 = arith.constant 256 : i32
      %dma_start3A_66 = arith.constant 0 : i32
      %dma_start3A_67 = tpu.memref_slice %arg8[%dma_start3A_65, %dma_start3A_66] : memref<640x64xf32, #tpu.memory_space<vmem>> -> memref<128x64xf32, #tpu.memory_space<vmem>>
      %dma_start3A_68 = arith.constant 0 : i32
      %dma_start3A_69 = tpu.memref_slice %arg6[%add3A_55, %dma_start3A_68] : memref<50x128xi32, #tpu.memory_space<vmem>> -> memref<1x128xi32, #tpu.memory_space<vmem>>
      %dma_start3A_70 = tpu.memref_squeeze %dma_start3A_69 : memref<1x128xi32, #tpu.memory_space<vmem>> -> memref<128xi32, #tpu.memory_space<vmem>>
      %dma_start3A_71 = arith.constant 0 : i32
      %dma_start3A_72 = arith.constant 0 : i32
      %dma_start3A_73 = tpu.memref_slice %arg4[%dma_start3A_71, %dma_start3A_72] : memref<1000000x64xf32, #tpu.memory_space<hbm>> -> memref<1000000x64xf32, #tpu.memory_space<hbm>>
      tpu.enqueue_indirect_dma source(%dma_start3A_73 : memref<1000000x64xf32, #tpu.memory_space<hbm>>) target(%dma_start3A_67 : memref<128x64xf32, #tpu.memory_space<vmem>>) offsets(%dma_start3A_70 : memref<128xi32, #tpu.memory_space<vmem>>) semaphore(%arg10 : memref<!tpu.dma_semaphore, #tpu.memory_space<semaphore_mem>>)
      %mul3A_74 = arith.constant 5 : i32
      %mul3A_75 = arith.muli %scan3A_8, %mul3A_74 : i32
      %add3A_76 = arith.constant 3 : i32
      %add3A_77 = arith.addi %mul3A_75, %add3A_76 : i32
      %dma_start3A_78 = arith.constant 384 : i32
      %dma_start3A_79 = arith.constant 0 : i32
      %dma_start3A_80 = tpu.memref_slice %arg7[%dma_start3A_78, %dma_start3A_79] : memref<640x64xf32, #tpu.memory_space<vmem>> -> memref<128x64xf32, #tpu.memory_space<vmem>>
      %dma_start3A_81 = arith.constant 0 : i32
      %dma_start3A_82 = tpu.memref_slice %arg6[%add3A_77, %dma_start3A_81] : memref<50x128xi32, #tpu.memory_space<vmem>> -> memref<1x128xi32, #tpu.memory_space<vmem>>
      %dma_start3A_83 = tpu.memref_squeeze %dma_start3A_82 : memref<1x128xi32, #tpu.memory_space<vmem>> -> memref<128xi32, #tpu.memory_space<vmem>>
      %dma_start3A_84 = arith.constant 0 : i32
      %dma_start3A_85 = arith.constant 0 : i32
      %dma_start3A_86 = tpu.memref_slice %arg3[%dma_start3A_84, %dma_start3A_85] : memref<1000000x64xf32, #tpu.memory_space<hbm>> -> memref<1000000x64xf32, #tpu.memory_space<hbm>>
      tpu.enqueue_indirect_dma source(%dma_start3A_86 : memref<1000000x64xf32, #tpu.memory_space<hbm>>) target(%dma_start3A_80 : memref<128x64xf32, #tpu.memory_space<vmem>>) offsets(%dma_start3A_83 : memref<128xi32, #tpu.memory_space<vmem>>) semaphore(%arg9 : memref<!tpu.dma_semaphore, #tpu.memory_space<semaphore_mem>>)
      %dma_start3A_87 = arith.constant 384 : i32
      %dma_start3A_88 = arith.constant 0 : i32
      %dma_start3A_89 = tpu.memref_slice %arg8[%dma_start3A_87, %dma_start3A_88] : memref<640x64xf32, #tpu.memory_space<vmem>> -> memref<128x64xf32, #tpu.memory_space<vmem>>
      %dma_start3A_90 = arith.constant 0 : i32
      %dma_start3A_91 = tpu.memref_slice %arg6[%add3A_77, %dma_start3A_90] : memref<50x128xi32, #tpu.memory_space<vmem>> -> memref<1x128xi32, #tpu.memory_space<vmem>>
      %dma_start3A_92 = tpu.memref_squeeze %dma_start3A_91 : memref<1x128xi32, #tpu.memory_space<vmem>> -> memref<128xi32, #tpu.memory_space<vmem>>
      %dma_start3A_93 = arith.constant 0 : i32
      %dma_start3A_94 = arith.constant 0 : i32
      %dma_start3A_95 = tpu.memref_slice %arg4[%dma_start3A_93, %dma_start3A_94] : memref<1000000x64xf32, #tpu.memory_space<hbm>> -> memref<1000000x64xf32, #tpu.memory_space<hbm>>
      tpu.enqueue_indirect_dma source(%dma_start3A_95 : memref<1000000x64xf32, #tpu.memory_space<hbm>>) target(%dma_start3A_89 : memref<128x64xf32, #tpu.memory_space<vmem>>) offsets(%dma_start3A_92 : memref<128xi32, #tpu.memory_space<vmem>>) semaphore(%arg10 : memref<!tpu.dma_semaphore, #tpu.memory_space<semaphore_mem>>)
      %mul3A_96 = arith.constant 5 : i32
      %mul3A_97 = arith.muli %scan3A_8, %mul3A_96 : i32
      %add3A_98 = arith.constant 4 : i32
      %add3A_99 = arith.addi %mul3A_97, %add3A_98 : i32
      %dma_start3A_100 = arith.constant 512 : i32
      %dma_start3A_101 = arith.constant 0 : i32
      %dma_start3A_102 = tpu.memref_slice %arg7[%dma_start3A_100, %dma_start3A_101] : memref<640x64xf32, #tpu.memory_space<vmem>> -> memref<128x64xf32, #tpu.memory_space<vmem>>
      %dma_start3A_103 = arith.constant 0 : i32
      %dma_start3A_104 = tpu.memref_slice %arg6[%add3A_99, %dma_start3A_103] : memref<50x128xi32, #tpu.memory_space<vmem>> -> memref<1x128xi32, #tpu.memory_space<vmem>>
      %dma_start3A_105 = tpu.memref_squeeze %dma_start3A_104 : memref<1x128xi32, #tpu.memory_space<vmem>> -> memref<128xi32, #tpu.memory_space<vmem>>
      %dma_start3A_106 = arith.constant 0 : i32
      %dma_start3A_107 = arith.constant 0 : i32
      %dma_start3A_108 = tpu.memref_slice %arg3[%dma_start3A_106, %dma_start3A_107] : memref<1000000x64xf32, #tpu.memory_space<hbm>> -> memref<1000000x64xf32, #tpu.memory_space<hbm>>
      tpu.enqueue_indirect_dma source(%dma_start3A_108 : memref<1000000x64xf32, #tpu.memory_space<hbm>>) target(%dma_start3A_102 : memref<128x64xf32, #tpu.memory_space<vmem>>) offsets(%dma_start3A_105 : memref<128xi32, #tpu.memory_space<vmem>>) semaphore(%arg9 : memref<!tpu.dma_semaphore, #tpu.memory_space<semaphore_mem>>)
      %dma_start3A_109 = arith.constant 512 : i32
      %dma_start3A_110 = arith.constant 0 : i32
      %dma_start3A_111 = tpu.memref_slice %arg8[%dma_start3A_109, %dma_start3A_110] : memref<640x64xf32, #tpu.memory_space<vmem>> -> memref<128x64xf32, #tpu.memory_space<vmem>>
      %dma_start3A_112 = arith.constant 0 : i32
      %dma_start3A_113 = tpu.memref_slice %arg6[%add3A_99, %dma_start3A_112] : memref<50x128xi32, #tpu.memory_space<vmem>> -> memref<1x128xi32, #tpu.memory_space<vmem>>
      %dma_start3A_114 = tpu.memref_squeeze %dma_start3A_113 : memref<1x128xi32, #tpu.memory_space<vmem>> -> memref<128xi32, #tpu.memory_space<vmem>>
      %dma_start3A_115 = arith.constant 0 : i32
      %dma_start3A_116 = arith.constant 0 : i32
      %dma_start3A_117 = tpu.memref_slice %arg4[%dma_start3A_115, %dma_start3A_116] : memref<1000000x64xf32, #tpu.memory_space<hbm>> -> memref<1000000x64xf32, #tpu.memory_space<hbm>>
      tpu.enqueue_indirect_dma source(%dma_start3A_117 : memref<1000000x64xf32, #tpu.memory_space<hbm>>) target(%dma_start3A_111 : memref<128x64xf32, #tpu.memory_space<vmem>>) offsets(%dma_start3A_114 : memref<128xi32, #tpu.memory_space<vmem>>) semaphore(%arg10 : memref<!tpu.dma_semaphore, #tpu.memory_space<semaphore_mem>>)
      %dma_wait3A = arith.constant 0 : i32
      %dma_wait3A_118 = arith.constant 0 : i32
      %dma_wait3A_119 = tpu.memref_slice %arg7[%dma_wait3A, %dma_wait3A_118] : memref<640x64xf32, #tpu.memory_space<vmem>> -> memref<128x64xf32, #tpu.memory_space<vmem>>
      %dma_wait3A_120 = arith.constant 0 : i32
      %dma_wait3A_121 = tpu.memref_slice %arg6[%add3A_12, %dma_wait3A_120] : memref<50x128xi32, #tpu.memory_space<vmem>> -> memref<1x128xi32, #tpu.memory_space<vmem>>
      %dma_wait3A_122 = tpu.memref_squeeze %dma_wait3A_121 : memref<1x128xi32, #tpu.memory_space<vmem>> -> memref<128xi32, #tpu.memory_space<vmem>>
      %dma_wait3A_123 = arith.constant 0 : i32
      %dma_wait3A_124 = arith.constant 0 : i32
      %dma_wait3A_125 = tpu.memref_slice %arg3[%dma_wait3A_123, %dma_wait3A_124] : memref<1000000x64xf32, #tpu.memory_space<hbm>> -> memref<1000000x64xf32, #tpu.memory_space<hbm>>
      tpu.wait_indirect_dma semaphore(%arg9 : memref<!tpu.dma_semaphore, #tpu.memory_space<semaphore_mem>>) src(%dma_wait3A_125 : memref<1000000x64xf32, #tpu.memory_space<hbm>>) dst(%dma_wait3A_119 : memref<128x64xf32, #tpu.memory_space<vmem>>)
      %dma_wait3A_126 = arith.constant 0 : i32
      %dma_wait3A_127 = arith.constant 0 : i32
      %dma_wait3A_128 = tpu.memref_slice %arg8[%dma_wait3A_126, %dma_wait3A_127] : memref<640x64xf32, #tpu.memory_space<vmem>> -> memref<128x64xf32, #tpu.memory_space<vmem>>
      %dma_wait3A_129 = arith.constant 0 : i32
      %dma_wait3A_130 = tpu.memref_slice %arg6[%add3A_12, %dma_wait3A_129] : memref<50x128xi32, #tpu.memory_space<vmem>> -> memref<1x128xi32, #tpu.memory_space<vmem>>
      %dma_wait3A_131 = tpu.memref_squeeze %dma_wait3A_130 : memref<1x128xi32, #tpu.memory_space<vmem>> -> memref<128xi32, #tpu.memory_space<vmem>>
      %dma_wait3A_132 = arith.constant 0 : i32
      %dma_wait3A_133 = arith.constant 0 : i32
      %dma_wait3A_134 = tpu.memref_slice %arg4[%dma_wait3A_132, %dma_wait3A_133] : memref<1000000x64xf32, #tpu.memory_space<hbm>> -> memref<1000000x64xf32, #tpu.memory_space<hbm>>
      tpu.wait_indirect_dma semaphore(%arg10 : memref<!tpu.dma_semaphore, #tpu.memory_space<semaphore_mem>>) src(%dma_wait3A_134 : memref<1000000x64xf32, #tpu.memory_space<hbm>>) dst(%dma_wait3A_128 : memref<128x64xf32, #tpu.memory_space<vmem>>)
      %dma_wait3A_135 = arith.constant 128 : i32
      %dma_wait3A_136 = arith.constant 0 : i32
      %dma_wait3A_137 = tpu.memref_slice %arg7[%dma_wait3A_135, %dma_wait3A_136] : memref<640x64xf32, #tpu.memory_space<vmem>> -> memref<128x64xf32, #tpu.memory_space<vmem>>
      %dma_wait3A_138 = arith.constant 0 : i32
      %dma_wait3A_139 = tpu.memref_slice %arg6[%add3A_33, %dma_wait3A_138] : memref<50x128xi32, #tpu.memory_space<vmem>> -> memref<1x128xi32, #tpu.memory_space<vmem>>
      %dma_wait3A_140 = tpu.memref_squeeze %dma_wait3A_139 : memref<1x128xi32, #tpu.memory_space<vmem>> -> memref<128xi32, #tpu.memory_space<vmem>>
      %dma_wait3A_141 = arith.constant 0 : i32
      %dma_wait3A_142 = arith.constant 0 : i32
      %dma_wait3A_143 = tpu.memref_slice %arg3[%dma_wait3A_141, %dma_wait3A_142] : memref<1000000x64xf32, #tpu.memory_space<hbm>> -> memref<1000000x64xf32, #tpu.memory_space<hbm>>
      tpu.wait_indirect_dma semaphore(%arg9 : memref<!tpu.dma_semaphore, #tpu.memory_space<semaphore_mem>>) src(%dma_wait3A_143 : memref<1000000x64xf32, #tpu.memory_space<hbm>>) dst(%dma_wait3A_137 : memref<128x64xf32, #tpu.memory_space<vmem>>)
      %dma_wait3A_144 = arith.constant 128 : i32
      %dma_wait3A_145 = arith.constant 0 : i32
      %dma_wait3A_146 = tpu.memref_slice %arg8[%dma_wait3A_144, %dma_wait3A_145] : memref<640x64xf32, #tpu.memory_space<vmem>> -> memref<128x64xf32, #tpu.memory_space<vmem>>
      %dma_wait3A_147 = arith.constant 0 : i32
      %dma_wait3A_148 = tpu.memref_slice %arg6[%add3A_33, %dma_wait3A_147] : memref<50x128xi32, #tpu.memory_space<vmem>> -> memref<1x128xi32, #tpu.memory_space<vmem>>
      %dma_wait3A_149 = tpu.memref_squeeze %dma_wait3A_148 : memref<1x128xi32, #tpu.memory_space<vmem>> -> memref<128xi32, #tpu.memory_space<vmem>>
      %dma_wait3A_150 = arith.constant 0 : i32
      %dma_wait3A_151 = arith.constant 0 : i32
      %dma_wait3A_152 = tpu.memref_slice %arg4[%dma_wait3A_150, %dma_wait3A_151] : memref<1000000x64xf32, #tpu.memory_space<hbm>> -> memref<1000000x64xf32, #tpu.memory_space<hbm>>
      tpu.wait_indirect_dma semaphore(%arg10 : memref<!tpu.dma_semaphore, #tpu.memory_space<semaphore_mem>>) src(%dma_wait3A_152 : memref<1000000x64xf32, #tpu.memory_space<hbm>>) dst(%dma_wait3A_146 : memref<128x64xf32, #tpu.memory_space<vmem>>)
      %dma_wait3A_153 = arith.constant 256 : i32
      %dma_wait3A_154 = arith.constant 0 : i32
      %dma_wait3A_155 = tpu.memref_slice %arg7[%dma_wait3A_153, %dma_wait3A_154] : memref<640x64xf32, #tpu.memory_space<vmem>> -> memref<128x64xf32, #tpu.memory_space<vmem>>
      %dma_wait3A_156 = arith.constant 0 : i32
      %dma_wait3A_157 = tpu.memref_slice %arg6[%add3A_55, %dma_wait3A_156] : memref<50x128xi32, #tpu.memory_space<vmem>> -> memref<1x128xi32, #tpu.memory_space<vmem>>
      %dma_wait3A_158 = tpu.memref_squeeze %dma_wait3A_157 : memref<1x128xi32, #tpu.memory_space<vmem>> -> memref<128xi32, #tpu.memory_space<vmem>>
      %dma_wait3A_159 = arith.constant 0 : i32
      %dma_wait3A_160 = arith.constant 0 : i32
      %dma_wait3A_161 = tpu.memref_slice %arg3[%dma_wait3A_159, %dma_wait3A_160] : memref<1000000x64xf32, #tpu.memory_space<hbm>> -> memref<1000000x64xf32, #tpu.memory_space<hbm>>
      tpu.wait_indirect_dma semaphore(%arg9 : memref<!tpu.dma_semaphore, #tpu.memory_space<semaphore_mem>>) src(%dma_wait3A_161 : memref<1000000x64xf32, #tpu.memory_space<hbm>>) dst(%dma_wait3A_155 : memref<128x64xf32, #tpu.memory_space<vmem>>)
      %dma_wait3A_162 = arith.constant 256 : i32
      %dma_wait3A_163 = arith.constant 0 : i32
      %dma_wait3A_164 = tpu.memref_slice %arg8[%dma_wait3A_162, %dma_wait3A_163] : memref<640x64xf32, #tpu.memory_space<vmem>> -> memref<128x64xf32, #tpu.memory_space<vmem>>
      %dma_wait3A_165 = arith.constant 0 : i32
      %dma_wait3A_166 = tpu.memref_slice %arg6[%add3A_55, %dma_wait3A_165] : memref<50x128xi32, #tpu.memory_space<vmem>> -> memref<1x128xi32, #tpu.memory_space<vmem>>
      %dma_wait3A_167 = tpu.memref_squeeze %dma_wait3A_166 : memref<1x128xi32, #tpu.memory_space<vmem>> -> memref<128xi32, #tpu.memory_space<vmem>>
      %dma_wait3A_168 = arith.constant 0 : i32
      %dma_wait3A_169 = arith.constant 0 : i32
      %dma_wait3A_170 = tpu.memref_slice %arg4[%dma_wait3A_168, %dma_wait3A_169] : memref<1000000x64xf32, #tpu.memory_space<hbm>> -> memref<1000000x64xf32, #tpu.memory_space<hbm>>
      tpu.wait_indirect_dma semaphore(%arg10 : memref<!tpu.dma_semaphore, #tpu.memory_space<semaphore_mem>>) src(%dma_wait3A_170 : memref<1000000x64xf32, #tpu.memory_space<hbm>>) dst(%dma_wait3A_164 : memref<128x64xf32, #tpu.memory_space<vmem>>)
      %dma_wait3A_171 = arith.constant 384 : i32
      %dma_wait3A_172 = arith.constant 0 : i32
      %dma_wait3A_173 = tpu.memref_slice %arg7[%dma_wait3A_171, %dma_wait3A_172] : memref<640x64xf32, #tpu.memory_space<vmem>> -> memref<128x64xf32, #tpu.memory_space<vmem>>
      %dma_wait3A_174 = arith.constant 0 : i32
      %dma_wait3A_175 = tpu.memref_slice %arg6[%add3A_77, %dma_wait3A_174] : memref<50x128xi32, #tpu.memory_space<vmem>> -> memref<1x128xi32, #tpu.memory_space<vmem>>
      %dma_wait3A_176 = tpu.memref_squeeze %dma_wait3A_175 : memref<1x128xi32, #tpu.memory_space<vmem>> -> memref<128xi32, #tpu.memory_space<vmem>>
      %dma_wait3A_177 = arith.constant 0 : i32
      %dma_wait3A_178 = arith.constant 0 : i32
      %dma_wait3A_179 = tpu.memref_slice %arg3[%dma_wait3A_177, %dma_wait3A_178] : memref<1000000x64xf32, #tpu.memory_space<hbm>> -> memref<1000000x64xf32, #tpu.memory_space<hbm>>
      tpu.wait_indirect_dma semaphore(%arg9 : memref<!tpu.dma_semaphore, #tpu.memory_space<semaphore_mem>>) src(%dma_wait3A_179 : memref<1000000x64xf32, #tpu.memory_space<hbm>>) dst(%dma_wait3A_173 : memref<128x64xf32, #tpu.memory_space<vmem>>)
      %dma_wait3A_180 = arith.constant 384 : i32
      %dma_wait3A_181 = arith.constant 0 : i32
      %dma_wait3A_182 = tpu.memref_slice %arg8[%dma_wait3A_180, %dma_wait3A_181] : memref<640x64xf32, #tpu.memory_space<vmem>> -> memref<128x64xf32, #tpu.memory_space<vmem>>
      %dma_wait3A_183 = arith.constant 0 : i32
      %dma_wait3A_184 = tpu.memref_slice %arg6[%add3A_77, %dma_wait3A_183] : memref<50x128xi32, #tpu.memory_space<vmem>> -> memref<1x128xi32, #tpu.memory_space<vmem>>
      %dma_wait3A_185 = tpu.memref_squeeze %dma_wait3A_184 : memref<1x128xi32, #tpu.memory_space<vmem>> -> memref<128xi32, #tpu.memory_space<vmem>>
      %dma_wait3A_186 = arith.constant 0 : i32
      %dma_wait3A_187 = arith.constant 0 : i32
      %dma_wait3A_188 = tpu.memref_slice %arg4[%dma_wait3A_186, %dma_wait3A_187] : memref<1000000x64xf32, #tpu.memory_space<hbm>> -> memref<1000000x64xf32, #tpu.memory_space<hbm>>
      tpu.wait_indirect_dma semaphore(%arg10 : memref<!tpu.dma_semaphore, #tpu.memory_space<semaphore_mem>>) src(%dma_wait3A_188 : memref<1000000x64xf32, #tpu.memory_space<hbm>>) dst(%dma_wait3A_182 : memref<128x64xf32, #tpu.memory_space<vmem>>)
      %dma_wait3A_189 = arith.constant 512 : i32
      %dma_wait3A_190 = arith.constant 0 : i32
      %dma_wait3A_191 = tpu.memref_slice %arg7[%dma_wait3A_189, %dma_wait3A_190] : memref<640x64xf32, #tpu.memory_space<vmem>> -> memref<128x64xf32, #tpu.memory_space<vmem>>
      %dma_wait3A_192 = arith.constant 0 : i32
      %dma_wait3A_193 = tpu.memref_slice %arg6[%add3A_99, %dma_wait3A_192] : memref<50x128xi32, #tpu.memory_space<vmem>> -> memref<1x128xi32, #tpu.memory_space<vmem>>
      %dma_wait3A_194 = tpu.memref_squeeze %dma_wait3A_193 : memref<1x128xi32, #tpu.memory_space<vmem>> -> memref<128xi32, #tpu.memory_space<vmem>>
      %dma_wait3A_195 = arith.constant 0 : i32
      %dma_wait3A_196 = arith.constant 0 : i32
      %dma_wait3A_197 = tpu.memref_slice %arg3[%dma_wait3A_195, %dma_wait3A_196] : memref<1000000x64xf32, #tpu.memory_space<hbm>> -> memref<1000000x64xf32, #tpu.memory_space<hbm>>
      tpu.wait_indirect_dma semaphore(%arg9 : memref<!tpu.dma_semaphore, #tpu.memory_space<semaphore_mem>>) src(%dma_wait3A_197 : memref<1000000x64xf32, #tpu.memory_space<hbm>>) dst(%dma_wait3A_191 : memref<128x64xf32, #tpu.memory_space<vmem>>)
      %dma_wait3A_198 = arith.constant 512 : i32
      %dma_wait3A_199 = arith.constant 0 : i32
      %dma_wait3A_200 = tpu.memref_slice %arg8[%dma_wait3A_198, %dma_wait3A_199] : memref<640x64xf32, #tpu.memory_space<vmem>> -> memref<128x64xf32, #tpu.memory_space<vmem>>
      %dma_wait3A_201 = arith.constant 0 : i32
      %dma_wait3A_202 = tpu.memref_slice %arg6[%add3A_99, %dma_wait3A_201] : memref<50x128xi32, #tpu.memory_space<vmem>> -> memref<1x128xi32, #tpu.memory_space<vmem>>
      %dma_wait3A_203 = tpu.memref_squeeze %dma_wait3A_202 : memref<1x128xi32, #tpu.memory_space<vmem>> -> memref<128xi32, #tpu.memory_space<vmem>>
      %dma_wait3A_204 = arith.constant 0 : i32
      %dma_wait3A_205 = arith.constant 0 : i32
      %dma_wait3A_206 = tpu.memref_slice %arg4[%dma_wait3A_204, %dma_wait3A_205] : memref<1000000x64xf32, #tpu.memory_space<hbm>> -> memref<1000000x64xf32, #tpu.memory_space<hbm>>
      tpu.wait_indirect_dma semaphore(%arg10 : memref<!tpu.dma_semaphore, #tpu.memory_space<semaphore_mem>>) src(%dma_wait3A_206 : memref<1000000x64xf32, #tpu.memory_space<hbm>>) dst(%dma_wait3A_200 : memref<128x64xf32, #tpu.memory_space<vmem>>)
      %scan3A_207 = arith.constant 0 : i32
      %scan3A_208 = arith.constant 0 : i32
      %scan3A_209 = arith.constant 40 : i32
      %scan3A_210 = arith.addi %scan3A_208, %scan3A_209 : i32
      %scan3A_211 = arith.constant 1 : i32
      scf.for %scan3A_216 = %scan3A_208 to %scan3A_210 step %scan3A_211  : i32 {
        %mul3A_217 = arith.constant 16 : i32
        %mul3A_218 = arith.muli %scan3A_216, %mul3A_217 : i32
        %add3A_219 = arith.constant 0 : i32
        %add3A_220 = arith.addi %mul3A_218, %add3A_219 : i32
        %get3A = arith.index_cast %add3A_220 : i32 to index
        %get3A_221 = arith.constant 0 : index
        %get3A_222 = tpu.vector_load %arg7[%get3A, %get3A_221] {strides = array<i32>} : memref<640x64xf32, #tpu.memory_space<vmem>>, vector<1x16xf32>,
        %get3A_223 = vector.shape_cast %get3A_222 : vector<1x16xf32> to vector<16xf32>
        %get3A_224 = arith.index_cast %add3A_220 : i32 to index
        %get3A_225 = arith.constant 0 : index
        %get3A_226 = tpu.vector_load %arg8[%get3A_224, %get3A_225] {strides = array<i32>} : memref<640x64xf32, #tpu.memory_space<vmem>>, vector<1x16xf32>,
        %get3A_227 = vector.shape_cast %get3A_226 : vector<1x16xf32> to vector<16xf32>
        %add3A_228 = arith.addf %get3A_223, %get3A_227 : vector<16xf32>
        %swap3A = arith.index_cast %add3A_220 : i32 to index
        %swap3A_229 = arith.constant 0 : index
        %swap3A_230 = tpu.vector_load %arg7[%swap3A, %swap3A_229] {strides = array<i32>} : memref<640x64xf32, #tpu.memory_space<vmem>>, vector<1x16xf32>,
        %swap3A_231 = vector.shape_cast %swap3A_230 : vector<1x16xf32> to vector<16xf32>
        %swap3A_232 = vector.shape_cast %add3A_228 : vector<16xf32> to vector<1x16xf32>
        tpu.vector_store %arg7[%swap3A, %swap3A_229], %swap3A_232 {strides = array<i32>} : memref<640x64xf32, #tpu.memory_space<vmem>>, vector<1x16xf32>,
        %get3A_233 = arith.index_cast %add3A_220 : i32 to index
        %get3A_234 = arith.constant 16 : index
        %get3A_235 = tpu.vector_load %arg7[%get3A_233, %get3A_234] {strides = array<i32>} : memref<640x64xf32, #tpu.memory_space<vmem>>, vector<1x16xf32>,
        %get3A_236 = vector.shape_cast %get3A_235 : vector<1x16xf32> to vector<16xf32>
        %get3A_237 = arith.index_cast %add3A_220 : i32 to index
        %get3A_238 = arith.constant 16 : index
        %get3A_239 = tpu.vector_load %arg8[%get3A_237, %get3A_238] {strides = array<i32>} : memref<640x64xf32, #tpu.memory_space<vmem>>, vector<1x16xf32>,
        %get3A_240 = vector.shape_cast %get3A_239 : vector<1x16xf32> to vector<16xf32>
        %add3A_241 = arith.addf %get3A_236, %get3A_240 : vector<16xf32>
        %swap3A_242 = arith.index_cast %add3A_220 : i32 to index
        %swap3A_243 = arith.constant 16 : index
        %swap3A_244 = tpu.vector_load %arg7[%swap3A_242, %swap3A_243] {strides = array<i32>} : memref<640x64xf32, #tpu.memory_space<vmem>>, vector<1x16xf32>,
        %swap3A_245 = vector.shape_cast %swap3A_244 : vector<1x16xf32> to vector<16xf32>
        %swap3A_246 = vector.shape_cast %add3A_241 : vector<16xf32> to vector<1x16xf32>
        tpu.vector_store %arg7[%swap3A_242, %swap3A_243], %swap3A_246 {strides = array<i32>} : memref<640x64xf32, #tpu.memory_space<vmem>>, vector<1x16xf32>,
        %get3A_247 = arith.index_cast %add3A_220 : i32 to index
        %get3A_248 = arith.constant 32 : index
        %get3A_249 = tpu.vector_load %arg7[%get3A_247, %get3A_248] {strides = array<i32>} : memref<640x64xf32, #tpu.memory_space<vmem>>, vector<1x16xf32>,
        %get3A_250 = vector.shape_cast %get3A_249 : vector<1x16xf32> to vector<16xf32>
        %get3A_251 = arith.index_cast %add3A_220 : i32 to index
        %get3A_252 = arith.constant 32 : index
        %get3A_253 = tpu.vector_load %arg8[%get3A_251, %get3A_252] {strides = array<i32>} : memref<640x64xf32, #tpu.memory_space<vmem>>, vector<1x16xf32>,
        %get3A_254 = vector.shape_cast %get3A_253 : vector<1x16xf32> to vector<16xf32>
        %add3A_255 = arith.addf %get3A_250, %get3A_254 : vector<16xf32>
        %swap3A_256 = arith.index_cast %add3A_220 : i32 to index
        %swap3A_257 = arith.constant 32 : index
        %swap3A_258 = tpu.vector_load %arg7[%swap3A_256, %swap3A_257] {strides = array<i32>} : memref<640x64xf32, #tpu.memory_space<vmem>>, vector<1x16xf32>,
        %swap3A_259 = vector.shape_cast %swap3A_258 : vector<1x16xf32> to vector<16xf32>
        %swap3A_260 = vector.shape_cast %add3A_255 : vector<16xf32> to vector<1x16xf32>
        tpu.vector_store %arg7[%swap3A_256, %swap3A_257], %swap3A_260 {strides = array<i32>} : memref<640x64xf32, #tpu.memory_space<vmem>>, vector<1x16xf32>,
        %get3A_261 = arith.index_cast %add3A_220 : i32 to index
        %get3A_262 = arith.constant 48 : index
        %get3A_263 = tpu.vector_load %arg7[%get3A_261, %get3A_262] {strides = array<i32>} : memref<640x64xf32, #tpu.memory_space<vmem>>, vector<1x16xf32>,
        %get3A_264 = vector.shape_cast %get3A_263 : vector<1x16xf32> to vector<16xf32>
        %get3A_265 = arith.index_cast %add3A_220 : i32 to index
        %get3A_266 = arith.constant 48 : index
        %get3A_267 = tpu.vector_load %arg8[%get3A_265, %get3A_266] {strides = array<i32>} : memref<640x64xf32, #tpu.memory_space<vmem>>, vector<1x16xf32>,
        %get3A_268 = vector.shape_cast %get3A_267 : vector<1x16xf32> to vector<16xf32>
        %add3A_269 = arith.addf %get3A_264, %get3A_268 : vector<16xf32>
        %swap3A_270 = arith.index_cast %add3A_220 : i32 to index
        %swap3A_271 = arith.constant 48 : index
        %swap3A_272 = tpu.vector_load %arg7[%swap3A_270, %swap3A_271] {strides = array<i32>} : memref<640x64xf32, #tpu.memory_space<vmem>>, vector<1x16xf32>,
        %swap3A_273 = vector.shape_cast %swap3A_272 : vector<1x16xf32> to vector<16xf32>
        %swap3A_274 = vector.shape_cast %add3A_269 : vector<16xf32> to vector<1x16xf32>
        tpu.vector_store %arg7[%swap3A_270, %swap3A_271], %swap3A_274 {strides = array<i32>} : memref<640x64xf32, #tpu.memory_space<vmem>>, vector<1x16xf32>,
        %mul3A_275 = arith.constant 16 : i32
        %mul3A_276 = arith.muli %scan3A_216, %mul3A_275 : i32
        %add3A_277 = arith.constant 1 : i32
        %add3A_278 = arith.addi %mul3A_276, %add3A_277 : i32
        %get3A_279 = arith.index_cast %add3A_278 : i32 to index
        %get3A_280 = arith.constant 0 : index
        %get3A_281 = tpu.vector_load %arg7[%get3A_279, %get3A_280] {strides = array<i32>} : memref<640x64xf32, #tpu.memory_space<vmem>>, vector<1x16xf32>,
        %get3A_282 = vector.shape_cast %get3A_281 : vector<1x16xf32> to vector<16xf32>
        %get3A_283 = arith.index_cast %add3A_278 : i32 to index
        %get3A_284 = arith.constant 0 : index
        %get3A_285 = tpu.vector_load %arg8[%get3A_283, %get3A_284] {strides = array<i32>} : memref<640x64xf32, #tpu.memory_space<vmem>>, vector<1x16xf32>,
        %get3A_286 = vector.shape_cast %get3A_285 : vector<1x16xf32> to vector<16xf32>
        %add3A_287 = arith.addf %get3A_282, %get3A_286 : vector<16xf32>
        %swap3A_288 = arith.index_cast %add3A_278 : i32 to index
        %swap3A_289 = arith.constant 0 : index
        %swap3A_290 = tpu.vector_load %arg7[%swap3A_288, %swap3A_289] {strides = array<i32>} : memref<640x64xf32, #tpu.memory_space<vmem>>, vector<1x16xf32>,
        %swap3A_291 = vector.shape_cast %swap3A_290 : vector<1x16xf32> to vector<16xf32>
        %swap3A_292 = vector.shape_cast %add3A_287 : vector<16xf32> to vector<1x16xf32>
        tpu.vector_store %arg7[%swap3A_288, %swap3A_289], %swap3A_292 {strides = array<i32>} : memref<640x64xf32, #tpu.memory_space<vmem>>, vector<1x16xf32>,
        %get3A_293 = arith.index_cast %add3A_278 : i32 to index
        %get3A_294 = arith.constant 16 : index
        %get3A_295 = tpu.vector_load %arg7[%get3A_293, %get3A_294] {strides = array<i32>} : memref<640x64xf32, #tpu.memory_space<vmem>>, vector<1x16xf32>,
        %get3A_296 = vector.shape_cast %get3A_295 : vector<1x16xf32> to vector<16xf32>
        %get3A_297 = arith.index_cast %add3A_278 : i32 to index
        %get3A_298 = arith.constant 16 : index
        %get3A_299 = tpu.vector_load %arg8[%get3A_297, %get3A_298] {strides = array<i32>} : memref<640x64xf32, #tpu.memory_space<vmem>>, vector<1x16xf32>,
        %get3A_300 = vector.shape_cast %get3A_299 : vector<1x16xf32> to vector<16xf32>
        %add3A_301 = arith.addf %get3A_296, %get3A_300 : vector<16xf32>
        %swap3A_302 = arith.index_cast %add3A_278 : i32 to index
        %swap3A_303 = arith.constant 16 : index
        %swap3A_304 = tpu.vector_load %arg7[%swap3A_302, %swap3A_303] {strides = array<i32>} : memref<640x64xf32, #tpu.memory_space<vmem>>, vector<1x16xf32>,
        %swap3A_305 = vector.shape_cast %swap3A_304 : vector<1x16xf32> to vector<16xf32>
        %swap3A_306 = vector.shape_cast %add3A_301 : vector<16xf32> to vector<1x16xf32>
        tpu.vector_store %arg7[%swap3A_302, %swap3A_303], %swap3A_306 {strides = array<i32>} : memref<640x64xf32, #tpu.memory_space<vmem>>, vector<1x16xf32>,
        %get3A_307 = arith.index_cast %add3A_278 : i32 to index
        %get3A_308 = arith.constant 32 : index
        %get3A_309 = tpu.vector_load %arg7[%get3A_307, %get3A_308] {strides = array<i32>} : memref<640x64xf32, #tpu.memory_space<vmem>>, vector<1x16xf32>,
        %get3A_310 = vector.shape_cast %get3A_309 : vector<1x16xf32> to vector<16xf32>
        %get3A_311 = arith.index_cast %add3A_278 : i32 to index
        %get3A_312 = arith.constant 32 : index
        %get3A_313 = tpu.vector_load %arg8[%get3A_311, %get3A_312] {strides = array<i32>} : memref<640x64xf32, #tpu.memory_space<vmem>>, vector<1x16xf32>,
        %get3A_314 = vector.shape_cast %get3A_313 : vector<1x16xf32> to vector<16xf32>
        %add3A_315 = arith.addf %get3A_310, %get3A_314 : vector<16xf32>
        %swap3A_316 = arith.index_cast %add3A_278 : i32 to index
        %swap3A_317 = arith.constant 32 : index
        %swap3A_318 = tpu.vector_load %arg7[%swap3A_316, %swap3A_317] {strides = array<i32>} : memref<640x64xf32, #tpu.memory_space<vmem>>, vector<1x16xf32>,
        %swap3A_319 = vector.shape_cast %swap3A_318 : vector<1x16xf32> to vector<16xf32>
        %swap3A_320 = vector.shape_cast %add3A_315 : vector<16xf32> to vector<1x16xf32>
        tpu.vector_store %arg7[%swap3A_316, %swap3A_317], %swap3A_320 {strides = array<i32>} : memref<640x64xf32, #tpu.memory_space<vmem>>, vector<1x16xf32>,
        %get3A_321 = arith.index_cast %add3A_278 : i32 to index
        %get3A_322 = arith.constant 48 : index
        %get3A_323 = tpu.vector_load %arg7[%get3A_321, %get3A_322] {strides = array<i32>} : memref<640x64xf32, #tpu.memory_space<vmem>>, vector<1x16xf32>,
        %get3A_324 = vector.shape_cast %get3A_323 : vector<1x16xf32> to vector<16xf32>
        %get3A_325 = arith.index_cast %add3A_278 : i32 to index
        %get3A_326 = arith.constant 48 : index
        %get3A_327 = tpu.vector_load %arg8[%get3A_325, %get3A_326] {strides = array<i32>} : memref<640x64xf32, #tpu.memory_space<vmem>>, vector<1x16xf32>,
        %get3A_328 = vector.shape_cast %get3A_327 : vector<1x16xf32> to vector<16xf32>
        %add3A_329 = arith.addf %get3A_324, %get3A_328 : vector<16xf32>
        %swap3A_330 = arith.index_cast %add3A_278 : i32 to index
        %swap3A_331 = arith.constant 48 : index
        %swap3A_332 = tpu.vector_load %arg7[%swap3A_330, %swap3A_331] {strides = array<i32>} : memref<640x64xf32, #tpu.memory_space<vmem>>, vector<1x16xf32>,
        %swap3A_333 = vector.shape_cast %swap3A_332 : vector<1x16xf32> to vector<16xf32>
        %swap3A_334 = vector.shape_cast %add3A_329 : vector<16xf32> to vector<1x16xf32>
        tpu.vector_store %arg7[%swap3A_330, %swap3A_331], %swap3A_334 {strides = array<i32>} : memref<640x64xf32, #tpu.memory_space<vmem>>, vector<1x16xf32>,
        %mul3A_335 = arith.constant 16 : i32
        %mul3A_336 = arith.muli %scan3A_216, %mul3A_335 : i32
        %add3A_337 = arith.constant 2 : i32
        %add3A_338 = arith.addi %mul3A_336, %add3A_337 : i32
        %get3A_339 = arith.index_cast %add3A_338 : i32 to index
        %get3A_340 = arith.constant 0 : index
        %get3A_341 = tpu.vector_load %arg7[%get3A_339, %get3A_340] {strides = array<i32>} : memref<640x64xf32, #tpu.memory_space<vmem>>, vector<1x16xf32>,
        %get3A_342 = vector.shape_cast %get3A_341 : vector<1x16xf32> to vector<16xf32>
        %get3A_343 = arith.index_cast %add3A_338 : i32 to index
        %get3A_344 = arith.constant 0 : index
        %get3A_345 = tpu.vector_load %arg8[%get3A_343, %get3A_344] {strides = array<i32>} : memref<640x64xf32, #tpu.memory_space<vmem>>, vector<1x16xf32>,
        %get3A_346 = vector.shape_cast %get3A_345 : vector<1x16xf32> to vector<16xf32>
        %add3A_347 = arith.addf %get3A_342, %get3A_346 : vector<16xf32>
        %swap3A_348 = arith.index_cast %add3A_338 : i32 to index
        %swap3A_349 = arith.constant 0 : index
        %swap3A_350 = tpu.vector_load %arg7[%swap3A_348, %swap3A_349] {strides = array<i32>} : memref<640x64xf32, #tpu.memory_space<vmem>>, vector<1x16xf32>,
        %swap3A_351 = vector.shape_cast %swap3A_350 : vector<1x16xf32> to vector<16xf32>
        %swap3A_352 = vector.shape_cast %add3A_347 : vector<16xf32> to vector<1x16xf32>
        tpu.vector_store %arg7[%swap3A_348, %swap3A_349], %swap3A_352 {strides = array<i32>} : memref<640x64xf32, #tpu.memory_space<vmem>>, vector<1x16xf32>,
        %get3A_353 = arith.index_cast %add3A_338 : i32 to index
        %get3A_354 = arith.constant 16 : index
        %get3A_355 = tpu.vector_load %arg7[%get3A_353, %get3A_354] {strides = array<i32>} : memref<640x64xf32, #tpu.memory_space<vmem>>, vector<1x16xf32>,
        %get3A_356 = vector.shape_cast %get3A_355 : vector<1x16xf32> to vector<16xf32>
        %get3A_357 = arith.index_cast %add3A_338 : i32 to index
        %get3A_358 = arith.constant 16 : index
        %get3A_359 = tpu.vector_load %arg8[%get3A_357, %get3A_358] {strides = array<i32>} : memref<640x64xf32, #tpu.memory_space<vmem>>, vector<1x16xf32>,
        %get3A_360 = vector.shape_cast %get3A_359 : vector<1x16xf32> to vector<16xf32>
        %add3A_361 = arith.addf %get3A_356, %get3A_360 : vector<16xf32>
        %swap3A_362 = arith.index_cast %add3A_338 : i32 to index
        %swap3A_363 = arith.constant 16 : index
        %swap3A_364 = tpu.vector_load %arg7[%swap3A_362, %swap3A_363] {strides = array<i32>} : memref<640x64xf32, #tpu.memory_space<vmem>>, vector<1x16xf32>,
        %swap3A_365 = vector.shape_cast %swap3A_364 : vector<1x16xf32> to vector<16xf32>
        %swap3A_366 = vector.shape_cast %add3A_361 : vector<16xf32> to vector<1x16xf32>
        tpu.vector_store %arg7[%swap3A_362, %swap3A_363], %swap3A_366 {strides = array<i32>} : memref<640x64xf32, #tpu.memory_space<vmem>>, vector<1x16xf32>,
        %get3A_367 = arith.index_cast %add3A_338 : i32 to index
        %get3A_368 = arith.constant 32 : index
        %get3A_369 = tpu.vector_load %arg7[%get3A_367, %get3A_368] {strides = array<i32>} : memref<640x64xf32, #tpu.memory_space<vmem>>, vector<1x16xf32>,
        %get3A_370 = vector.shape_cast %get3A_369 : vector<1x16xf32> to vector<16xf32>
        %get3A_371 = arith.index_cast %add3A_338 : i32 to index
        %get3A_372 = arith.constant 32 : index
        %get3A_373 = tpu.vector_load %arg8[%get3A_371, %get3A_372] {strides = array<i32>} : memref<640x64xf32, #tpu.memory_space<vmem>>, vector<1x16xf32>,
        %get3A_374 = vector.shape_cast %get3A_373 : vector<1x16xf32> to vector<16xf32>
        %add3A_375 = arith.addf %get3A_370, %get3A_374 : vector<16xf32>
        %swap3A_376 = arith.index_cast %add3A_338 : i32 to index
        %swap3A_377 = arith.constant 32 : index
        %swap3A_378 = tpu.vector_load %arg7[%swap3A_376, %swap3A_377] {strides = array<i32>} : memref<640x64xf32, #tpu.memory_space<vmem>>, vector<1x16xf32>,
        %swap3A_379 = vector.shape_cast %swap3A_378 : vector<1x16xf32> to vector<16xf32>
        %swap3A_380 = vector.shape_cast %add3A_375 : vector<16xf32> to vector<1x16xf32>
        tpu.vector_store %arg7[%swap3A_376, %swap3A_377], %swap3A_380 {strides = array<i32>} : memref<640x64xf32, #tpu.memory_space<vmem>>, vector<1x16xf32>,
        %get3A_381 = arith.index_cast %add3A_338 : i32 to index
        %get3A_382 = arith.constant 48 : index
        %get3A_383 = tpu.vector_load %arg7[%get3A_381, %get3A_382] {strides = array<i32>} : memref<640x64xf32, #tpu.memory_space<vmem>>, vector<1x16xf32>,
        %get3A_384 = vector.shape_cast %get3A_383 : vector<1x16xf32> to vector<16xf32>
        %get3A_385 = arith.index_cast %add3A_338 : i32 to index
        %get3A_386 = arith.constant 48 : index
        %get3A_387 = tpu.vector_load %arg8[%get3A_385, %get3A_386] {strides = array<i32>} : memref<640x64xf32, #tpu.memory_space<vmem>>, vector<1x16xf32>,
        %get3A_388 = vector.shape_cast %get3A_387 : vector<1x16xf32> to vector<16xf32>
        %add3A_389 = arith.addf %get3A_384, %get3A_388 : vector<16xf32>
        %swap3A_390 = arith.index_cast %add3A_338 : i32 to index
        %swap3A_391 = arith.constant 48 : index
        %swap3A_392 = tpu.vector_load %arg7[%swap3A_390, %swap3A_391] {strides = array<i32>} : memref<640x64xf32, #tpu.memory_space<vmem>>, vector<1x16xf32>,
        %swap3A_393 = vector.shape_cast %swap3A_392 : vector<1x16xf32> to vector<16xf32>
        %swap3A_394 = vector.shape_cast %add3A_389 : vector<16xf32> to vector<1x16xf32>
        tpu.vector_store %arg7[%swap3A_390, %swap3A_391], %swap3A_394 {strides = array<i32>} : memref<640x64xf32, #tpu.memory_space<vmem>>, vector<1x16xf32>,
        %mul3A_395 = arith.constant 16 : i32
        %mul3A_396 = arith.muli %scan3A_216, %mul3A_395 : i32
        %add3A_397 = arith.constant 3 : i32
        %add3A_398 = arith.addi %mul3A_396, %add3A_397 : i32
        %get3A_399 = arith.index_cast %add3A_398 : i32 to index
        %get3A_400 = arith.constant 0 : index
        %get3A_401 = tpu.vector_load %arg7[%get3A_399, %get3A_400] {strides = array<i32>} : memref<640x64xf32, #tpu.memory_space<vmem>>, vector<1x16xf32>,
        %get3A_402 = vector.shape_cast %get3A_401 : vector<1x16xf32> to vector<16xf32>
        %get3A_403 = arith.index_cast %add3A_398 : i32 to index
        %get3A_404 = arith.constant 0 : index
        %get3A_405 = tpu.vector_load %arg8[%get3A_403, %get3A_404] {strides = array<i32>} : memref<640x64xf32, #tpu.memory_space<vmem>>, vector<1x16xf32>,
        %get3A_406 = vector.shape_cast %get3A_405 : vector<1x16xf32> to vector<16xf32>
        %add3A_407 = arith.addf %get3A_402, %get3A_406 : vector<16xf32>
        %swap3A_408 = arith.index_cast %add3A_398 : i32 to index
        %swap3A_409 = arith.constant 0 : index
        %swap3A_410 = tpu.vector_load %arg7[%swap3A_408, %swap3A_409] {strides = array<i32>} : memref<640x64xf32, #tpu.memory_space<vmem>>, vector<1x16xf32>,
        %swap3A_411 = vector.shape_cast %swap3A_410 : vector<1x16xf32> to vector<16xf32>
        %swap3A_412 = vector.shape_cast %add3A_407 : vector<16xf32> to vector<1x16xf32>
        tpu.vector_store %arg7[%swap3A_408, %swap3A_409], %swap3A_412 {strides = array<i32>} : memref<640x64xf32, #tpu.memory_space<vmem>>, vector<1x16xf32>,
        %get3A_413 = arith.index_cast %add3A_398 : i32 to index
        %get3A_414 = arith.constant 16 : index
        %get3A_415 = tpu.vector_load %arg7[%get3A_413, %get3A_414] {strides = array<i32>} : memref<640x64xf32, #tpu.memory_space<vmem>>, vector<1x16xf32>,
        %get3A_416 = vector.shape_cast %get3A_415 : vector<1x16xf32> to vector<16xf32>
        %get3A_417 = arith.index_cast %add3A_398 : i32 to index
        %get3A_418 = arith.constant 16 : index
        %get3A_419 = tpu.vector_load %arg8[%get3A_417, %get3A_418] {strides = array<i32>} : memref<640x64xf32, #tpu.memory_space<vmem>>, vector<1x16xf32>,
        %get3A_420 = vector.shape_cast %get3A_419 : vector<1x16xf32> to vector<16xf32>
        %add3A_421 = arith.addf %get3A_416, %get3A_420 : vector<16xf32>
        %swap3A_422 = arith.index_cast %add3A_398 : i32 to index
        %swap3A_423 = arith.constant 16 : index
        %swap3A_424 = tpu.vector_load %arg7[%swap3A_422, %swap3A_423] {strides = array<i32>} : memref<640x64xf32, #tpu.memory_space<vmem>>, vector<1x16xf32>,
        %swap3A_425 = vector.shape_cast %swap3A_424 : vector<1x16xf32> to vector<16xf32>
        %swap3A_426 = vector.shape_cast %add3A_421 : vector<16xf32> to vector<1x16xf32>
        tpu.vector_store %arg7[%swap3A_422, %swap3A_423], %swap3A_426 {strides = array<i32>} : memref<640x64xf32, #tpu.memory_space<vmem>>, vector<1x16xf32>,
        %get3A_427 = arith.index_cast %add3A_398 : i32 to index
        %get3A_428 = arith.constant 32 : index
        %get3A_429 = tpu.vector_load %arg7[%get3A_427, %get3A_428] {strides = array<i32>} : memref<640x64xf32, #tpu.memory_space<vmem>>, vector<1x16xf32>,
        %get3A_430 = vector.shape_cast %get3A_429 : vector<1x16xf32> to vector<16xf32>
        %get3A_431 = arith.index_cast %add3A_398 : i32 to index
        %get3A_432 = arith.constant 32 : index
        %get3A_433 = tpu.vector_load %arg8[%get3A_431, %get3A_432] {strides = array<i32>} : memref<640x64xf32, #tpu.memory_space<vmem>>, vector<1x16xf32>,
        %get3A_434 = vector.shape_cast %get3A_433 : vector<1x16xf32> to vector<16xf32>
        %add3A_435 = arith.addf %get3A_430, %get3A_434 : vector<16xf32>
        %swap3A_436 = arith.index_cast %add3A_398 : i32 to index
        %swap3A_437 = arith.constant 32 : index
        %swap3A_438 = tpu.vector_load %arg7[%swap3A_436, %swap3A_437] {strides = array<i32>} : memref<640x64xf32, #tpu.memory_space<vmem>>, vector<1x16xf32>,
        %swap3A_439 = vector.shape_cast %swap3A_438 : vector<1x16xf32> to vector<16xf32>
        %swap3A_440 = vector.shape_cast %add3A_435 : vector<16xf32> to vector<1x16xf32>
        tpu.vector_store %arg7[%swap3A_436, %swap3A_437], %swap3A_440 {strides = array<i32>} : memref<640x64xf32, #tpu.memory_space<vmem>>, vector<1x16xf32>,
        %get3A_441 = arith.index_cast %add3A_398 : i32 to index
        %get3A_442 = arith.constant 48 : index
        %get3A_443 = tpu.vector_load %arg7[%get3A_441, %get3A_442] {strides = array<i32>} : memref<640x64xf32, #tpu.memory_space<vmem>>, vector<1x16xf32>,
        %get3A_444 = vector.shape_cast %get3A_443 : vector<1x16xf32> to vector<16xf32>
        %get3A_445 = arith.index_cast %add3A_398 : i32 to index
        %get3A_446 = arith.constant 48 : index
        %get3A_447 = tpu.vector_load %arg8[%get3A_445, %get3A_446] {strides = array<i32>} : memref<640x64xf32, #tpu.memory_space<vmem>>, vector<1x16xf32>,
        %get3A_448 = vector.shape_cast %get3A_447 : vector<1x16xf32> to vector<16xf32>
        %add3A_449 = arith.addf %get3A_444, %get3A_448 : vector<16xf32>
        %swap3A_450 = arith.index_cast %add3A_398 : i32 to index
        %swap3A_451 = arith.constant 48 : index
        %swap3A_452 = tpu.vector_load %arg7[%swap3A_450, %swap3A_451] {strides = array<i32>} : memref<640x64xf32, #tpu.memory_space<vmem>>, vector<1x16xf32>,
        %swap3A_453 = vector.shape_cast %swap3A_452 : vector<1x16xf32> to vector<16xf32>
        %swap3A_454 = vector.shape_cast %add3A_449 : vector<16xf32> to vector<1x16xf32>
        tpu.vector_store %arg7[%swap3A_450, %swap3A_451], %swap3A_454 {strides = array<i32>} : memref<640x64xf32, #tpu.memory_space<vmem>>, vector<1x16xf32>,
        %mul3A_455 = arith.constant 16 : i32
        %mul3A_456 = arith.muli %scan3A_216, %mul3A_455 : i32
        %add3A_457 = arith.constant 4 : i32
        %add3A_458 = arith.addi %mul3A_456, %add3A_457 : i32
        %get3A_459 = arith.index_cast %add3A_458 : i32 to index
        %get3A_460 = arith.constant 0 : index
        %get3A_461 = tpu.vector_load %arg7[%get3A_459, %get3A_460] {strides = array<i32>} : memref<640x64xf32, #tpu.memory_space<vmem>>, vector<1x16xf32>,
        %get3A_462 = vector.shape_cast %get3A_461 : vector<1x16xf32> to vector<16xf32>
        %get3A_463 = arith.index_cast %add3A_458 : i32 to index
        %get3A_464 = arith.constant 0 : index
        %get3A_465 = tpu.vector_load %arg8[%get3A_463, %get3A_464] {strides = array<i32>} : memref<640x64xf32, #tpu.memory_space<vmem>>, vector<1x16xf32>,
        %get3A_466 = vector.shape_cast %get3A_465 : vector<1x16xf32> to vector<16xf32>
        %add3A_467 = arith.addf %get3A_462, %get3A_466 : vector<16xf32>
        %swap3A_468 = arith.index_cast %add3A_458 : i32 to index
        %swap3A_469 = arith.constant 0 : index
        %swap3A_470 = tpu.vector_load %arg7[%swap3A_468, %swap3A_469] {strides = array<i32>} : memref<640x64xf32, #tpu.memory_space<vmem>>, vector<1x16xf32>,
        %swap3A_471 = vector.shape_cast %swap3A_470 : vector<1x16xf32> to vector<16xf32>
        %swap3A_472 = vector.shape_cast %add3A_467 : vector<16xf32> to vector<1x16xf32>
        tpu.vector_store %arg7[%swap3A_468, %swap3A_469], %swap3A_472 {strides = array<i32>} : memref<640x64xf32, #tpu.memory_space<vmem>>, vector<1x16xf32>,
        %get3A_473 = arith.index_cast %add3A_458 : i32 to index
        %get3A_474 = arith.constant 16 : index
        %get3A_475 = tpu.vector_load %arg7[%get3A_473, %get3A_474] {strides = array<i32>} : memref<640x64xf32, #tpu.memory_space<vmem>>, vector<1x16xf32>,
        %get3A_476 = vector.shape_cast %get3A_475 : vector<1x16xf32> to vector<16xf32>
        %get3A_477 = arith.index_cast %add3A_458 : i32 to index
        %get3A_478 = arith.constant 16 : index
        %get3A_479 = tpu.vector_load %arg8[%get3A_477, %get3A_478] {strides = array<i32>} : memref<640x64xf32, #tpu.memory_space<vmem>>, vector<1x16xf32>,
        %get3A_480 = vector.shape_cast %get3A_479 : vector<1x16xf32> to vector<16xf32>
        %add3A_481 = arith.addf %get3A_476, %get3A_480 : vector<16xf32>
        %swap3A_482 = arith.index_cast %add3A_458 : i32 to index
        %swap3A_483 = arith.constant 16 : index
        %swap3A_484 = tpu.vector_load %arg7[%swap3A_482, %swap3A_483] {strides = array<i32>} : memref<640x64xf32, #tpu.memory_space<vmem>>, vector<1x16xf32>,
        %swap3A_485 = vector.shape_cast %swap3A_484 : vector<1x16xf32> to vector<16xf32>
        %swap3A_486 = vector.shape_cast %add3A_481 : vector<16xf32> to vector<1x16xf32>
        tpu.vector_store %arg7[%swap3A_482, %swap3A_483], %swap3A_486 {strides = array<i32>} : memref<640x64xf32, #tpu.memory_space<vmem>>, vector<1x16xf32>,
        %get3A_487 = arith.index_cast %add3A_458 : i32 to index
        %get3A_488 = arith.constant 32 : index
        %get3A_489 = tpu.vector_load %arg7[%get3A_487, %get3A_488] {strides = array<i32>} : memref<640x64xf32, #tpu.memory_space<vmem>>, vector<1x16xf32>,
        %get3A_490 = vector.shape_cast %get3A_489 : vector<1x16xf32> to vector<16xf32>
        %get3A_491 = arith.index_cast %add3A_458 : i32 to index
        %get3A_492 = arith.constant 32 : index
        %get3A_493 = tpu.vector_load %arg8[%get3A_491, %get3A_492] {strides = array<i32>} : memref<640x64xf32, #tpu.memory_space<vmem>>, vector<1x16xf32>,
        %get3A_494 = vector.shape_cast %get3A_493 : vector<1x16xf32> to vector<16xf32>
        %add3A_495 = arith.addf %get3A_490, %get3A_494 : vector<16xf32>
        %swap3A_496 = arith.index_cast %add3A_458 : i32 to index
        %swap3A_497 = arith.constant 32 : index
        %swap3A_498 = tpu.vector_load %arg7[%swap3A_496, %swap3A_497] {strides = array<i32>} : memref<640x64xf32, #tpu.memory_space<vmem>>, vector<1x16xf32>,
        %swap3A_499 = vector.shape_cast %swap3A_498 : vector<1x16xf32> to vector<16xf32>
        %swap3A_500 = vector.shape_cast %add3A_495 : vector<16xf32> to vector<1x16xf32>
        tpu.vector_store %arg7[%swap3A_496, %swap3A_497], %swap3A_500 {strides = array<i32>} : memref<640x64xf32, #tpu.memory_space<vmem>>, vector<1x16xf32>,
        %get3A_501 = arith.index_cast %add3A_458 : i32 to index
        %get3A_502 = arith.constant 48 : index
        %get3A_503 = tpu.vector_load %arg7[%get3A_501, %get3A_502] {strides = array<i32>} : memref<640x64xf32, #tpu.memory_space<vmem>>, vector<1x16xf32>,
        %get3A_504 = vector.shape_cast %get3A_503 : vector<1x16xf32> to vector<16xf32>
        %get3A_505 = arith.index_cast %add3A_458 : i32 to index
        %get3A_506 = arith.constant 48 : index
        %get3A_507 = tpu.vector_load %arg8[%get3A_505, %get3A_506] {strides = array<i32>} : memref<640x64xf32, #tpu.memory_space<vmem>>, vector<1x16xf32>,
        %get3A_508 = vector.shape_cast %get3A_507 : vector<1x16xf32> to vector<16xf32>
        %add3A_509 = arith.addf %get3A_504, %get3A_508 : vector<16xf32>
        %swap3A_510 = arith.index_cast %add3A_458 : i32 to index
        %swap3A_511 = arith.constant 48 : index
        %swap3A_512 = tpu.vector_load %arg7[%swap3A_510, %swap3A_511] {strides = array<i32>} : memref<640x64xf32, #tpu.memory_space<vmem>>, vector<1x16xf32>,
        %swap3A_513 = vector.shape_cast %swap3A_512 : vector<1x16xf32> to vector<16xf32>
        %swap3A_514 = vector.shape_cast %add3A_509 : vector<16xf32> to vector<1x16xf32>
        tpu.vector_store %arg7[%swap3A_510, %swap3A_511], %swap3A_514 {strides = array<i32>} : memref<640x64xf32, #tpu.memory_space<vmem>>, vector<1x16xf32>,
        %mul3A_515 = arith.constant 16 : i32
        %mul3A_516 = arith.muli %scan3A_216, %mul3A_515 : i32
        %add3A_517 = arith.constant 5 : i32
        %add3A_518 = arith.addi %mul3A_516, %add3A_517 : i32
        %get3A_519 = arith.index_cast %add3A_518 : i32 to index
        %get3A_520 = arith.constant 0 : index
        %get3A_521 = tpu.vector_load %arg7[%get3A_519, %get3A_520] {strides = array<i32>} : memref<640x64xf32, #tpu.memory_space<vmem>>, vector<1x16xf32>,
        %get3A_522 = vector.shape_cast %get3A_521 : vector<1x16xf32> to vector<16xf32>
        %get3A_523 = arith.index_cast %add3A_518 : i32 to index
        %get3A_524 = arith.constant 0 : index
        %get3A_525 = tpu.vector_load %arg8[%get3A_523, %get3A_524] {strides = array<i32>} : memref<640x64xf32, #tpu.memory_space<vmem>>, vector<1x16xf32>,
        %get3A_526 = vector.shape_cast %get3A_525 : vector<1x16xf32> to vector<16xf32>
        %add3A_527 = arith.addf %get3A_522, %get3A_526 : vector<16xf32>
        %swap3A_528 = arith.index_cast %add3A_518 : i32 to index
        %swap3A_529 = arith.constant 0 : index
        %swap3A_530 = tpu.vector_load %arg7[%swap3A_528, %swap3A_529] {strides = array<i32>} : memref<640x64xf32, #tpu.memory_space<vmem>>, vector<1x16xf32>,
        %swap3A_531 = vector.shape_cast %swap3A_530 : vector<1x16xf32> to vector<16xf32>
        %swap3A_532 = vector.shape_cast %add3A_527 : vector<16xf32> to vector<1x16xf32>
        tpu.vector_store %arg7[%swap3A_528, %swap3A_529], %swap3A_532 {strides = array<i32>} : memref<640x64xf32, #tpu.memory_space<vmem>>, vector<1x16xf32>,
        %get3A_533 = arith.index_cast %add3A_518 : i32 to index
        %get3A_534 = arith.constant 16 : index
        %get3A_535 = tpu.vector_load %arg7[%get3A_533, %get3A_534] {strides = array<i32>} : memref<640x64xf32, #tpu.memory_space<vmem>>, vector<1x16xf32>,
        %get3A_536 = vector.shape_cast %get3A_535 : vector<1x16xf32> to vector<16xf32>
        %get3A_537 = arith.index_cast %add3A_518 : i32 to index
        %get3A_538 = arith.constant 16 : index
        %get3A_539 = tpu.vector_load %arg8[%get3A_537, %get3A_538] {strides = array<i32>} : memref<640x64xf32, #tpu.memory_space<vmem>>, vector<1x16xf32>,
        %get3A_540 = vector.shape_cast %get3A_539 : vector<1x16xf32> to vector<16xf32>
        %add3A_541 = arith.addf %get3A_536, %get3A_540 : vector<16xf32>
        %swap3A_542 = arith.index_cast %add3A_518 : i32 to index
        %swap3A_543 = arith.constant 16 : index
        %swap3A_544 = tpu.vector_load %arg7[%swap3A_542, %swap3A_543] {strides = array<i32>} : memref<640x64xf32, #tpu.memory_space<vmem>>, vector<1x16xf32>,
        %swap3A_545 = vector.shape_cast %swap3A_544 : vector<1x16xf32> to vector<16xf32>
        %swap3A_546 = vector.shape_cast %add3A_541 : vector<16xf32> to vector<1x16xf32>
        tpu.vector_store %arg7[%swap3A_542, %swap3A_543], %swap3A_546 {strides = array<i32>} : memref<640x64xf32, #tpu.memory_space<vmem>>, vector<1x16xf32>,
        %get3A_547 = arith.index_cast %add3A_518 : i32 to index
        %get3A_548 = arith.constant 32 : index
        %get3A_549 = tpu.vector_load %arg7[%get3A_547, %get3A_548] {strides = array<i32>} : memref<640x64xf32, #tpu.memory_space<vmem>>, vector<1x16xf32>,
        %get3A_550 = vector.shape_cast %get3A_549 : vector<1x16xf32> to vector<16xf32>
        %get3A_551 = arith.index_cast %add3A_518 : i32 to index
        %get3A_552 = arith.constant 32 : index
        %get3A_553 = tpu.vector_load %arg8[%get3A_551, %get3A_552] {strides = array<i32>} : memref<640x64xf32, #tpu.memory_space<vmem>>, vector<1x16xf32>,
        %get3A_554 = vector.shape_cast %get3A_553 : vector<1x16xf32> to vector<16xf32>
        %add3A_555 = arith.addf %get3A_550, %get3A_554 : vector<16xf32>
        %swap3A_556 = arith.index_cast %add3A_518 : i32 to index
        %swap3A_557 = arith.constant 32 : index
        %swap3A_558 = tpu.vector_load %arg7[%swap3A_556, %swap3A_557] {strides = array<i32>} : memref<640x64xf32, #tpu.memory_space<vmem>>, vector<1x16xf32>,
        %swap3A_559 = vector.shape_cast %swap3A_558 : vector<1x16xf32> to vector<16xf32>
        %swap3A_560 = vector.shape_cast %add3A_555 : vector<16xf32> to vector<1x16xf32>
        tpu.vector_store %arg7[%swap3A_556, %swap3A_557], %swap3A_560 {strides = array<i32>} : memref<640x64xf32, #tpu.memory_space<vmem>>, vector<1x16xf32>,
        %get3A_561 = arith.index_cast %add3A_518 : i32 to index
        %get3A_562 = arith.constant 48 : index
        %get3A_563 = tpu.vector_load %arg7[%get3A_561, %get3A_562] {strides = array<i32>} : memref<640x64xf32, #tpu.memory_space<vmem>>, vector<1x16xf32>,
        %get3A_564 = vector.shape_cast %get3A_563 : vector<1x16xf32> to vector<16xf32>
        %get3A_565 = arith.index_cast %add3A_518 : i32 to index
        %get3A_566 = arith.constant 48 : index
        %get3A_567 = tpu.vector_load %arg8[%get3A_565, %get3A_566] {strides = array<i32>} : memref<640x64xf32, #tpu.memory_space<vmem>>, vector<1x16xf32>,
        %get3A_568 = vector.shape_cast %get3A_567 : vector<1x16xf32> to vector<16xf32>
        %add3A_569 = arith.addf %get3A_564, %get3A_568 : vector<16xf32>
        %swap3A_570 = arith.index_cast %add3A_518 : i32 to index
        %swap3A_571 = arith.constant 48 : index
        %swap3A_572 = tpu.vector_load %arg7[%swap3A_570, %swap3A_571] {strides = array<i32>} : memref<640x64xf32, #tpu.memory_space<vmem>>, vector<1x16xf32>,
        %swap3A_573 = vector.shape_cast %swap3A_572 : vector<1x16xf32> to vector<16xf32>
        %swap3A_574 = vector.shape_cast %add3A_569 : vector<16xf32> to vector<1x16xf32>
        tpu.vector_store %arg7[%swap3A_570, %swap3A_571], %swap3A_574 {strides = array<i32>} : memref<640x64xf32, #tpu.memory_space<vmem>>, vector<1x16xf32>,
        %mul3A_575 = arith.constant 16 : i32
        %mul3A_576 = arith.muli %scan3A_216, %mul3A_575 : i32
        %add3A_577 = arith.constant 6 : i32
        %add3A_578 = arith.addi %mul3A_576, %add3A_577 : i32
        %get3A_579 = arith.index_cast %add3A_578 : i32 to index
        %get3A_580 = arith.constant 0 : index
        %get3A_581 = tpu.vector_load %arg7[%get3A_579, %get3A_580] {strides = array<i32>} : memref<640x64xf32, #tpu.memory_space<vmem>>, vector<1x16xf32>,
        %get3A_582 = vector.shape_cast %get3A_581 : vector<1x16xf32> to vector<16xf32>
        %get3A_583 = arith.index_cast %add3A_578 : i32 to index
        %get3A_584 = arith.constant 0 : index
        %get3A_585 = tpu.vector_load %arg8[%get3A_583, %get3A_584] {strides = array<i32>} : memref<640x64xf32, #tpu.memory_space<vmem>>, vector<1x16xf32>,
        %get3A_586 = vector.shape_cast %get3A_585 : vector<1x16xf32> to vector<16xf32>
        %add3A_587 = arith.addf %get3A_582, %get3A_586 : vector<16xf32>
        %swap3A_588 = arith.index_cast %add3A_578 : i32 to index
        %swap3A_589 = arith.constant 0 : index
        %swap3A_590 = tpu.vector_load %arg7[%swap3A_588, %swap3A_589] {strides = array<i32>} : memref<640x64xf32, #tpu.memory_space<vmem>>, vector<1x16xf32>,
        %swap3A_591 = vector.shape_cast %swap3A_590 : vector<1x16xf32> to vector<16xf32>
        %swap3A_592 = vector.shape_cast %add3A_587 : vector<16xf32> to vector<1x16xf32>
        tpu.vector_store %arg7[%swap3A_588, %swap3A_589], %swap3A_592 {strides = array<i32>} : memref<640x64xf32, #tpu.memory_space<vmem>>, vector<1x16xf32>,
        %get3A_593 = arith.index_cast %add3A_578 : i32 to index
        %get3A_594 = arith.constant 16 : index
        %get3A_595 = tpu.vector_load %arg7[%get3A_593, %get3A_594] {strides = array<i32>} : memref<640x64xf32, #tpu.memory_space<vmem>>, vector<1x16xf32>,
        %get3A_596 = vector.shape_cast %get3A_595 : vector<1x16xf32> to vector<16xf32>
        %get3A_597 = arith.index_cast %add3A_578 : i32 to index
        %get3A_598 = arith.constant 16 : index
        %get3A_599 = tpu.vector_load %arg8[%get3A_597, %get3A_598] {strides = array<i32>} : memref<640x64xf32, #tpu.memory_space<vmem>>, vector<1x16xf32>,
        %get3A_600 = vector.shape_cast %get3A_599 : vector<1x16xf32> to vector<16xf32>
        %add3A_601 = arith.addf %get3A_596, %get3A_600 : vector<16xf32>
        %swap3A_602 = arith.index_cast %add3A_578 : i32 to index
        %swap3A_603 = arith.constant 16 : index
        %swap3A_604 = tpu.vector_load %arg7[%swap3A_602, %swap3A_603] {strides = array<i32>} : memref<640x64xf32, #tpu.memory_space<vmem>>, vector<1x16xf32>,
        %swap3A_605 = vector.shape_cast %swap3A_604 : vector<1x16xf32> to vector<16xf32>
        %swap3A_606 = vector.shape_cast %add3A_601 : vector<16xf32> to vector<1x16xf32>
        tpu.vector_store %arg7[%swap3A_602, %swap3A_603], %swap3A_606 {strides = array<i32>} : memref<640x64xf32, #tpu.memory_space<vmem>>, vector<1x16xf32>,
        %get3A_607 = arith.index_cast %add3A_578 : i32 to index
        %get3A_608 = arith.constant 32 : index
        %get3A_609 = tpu.vector_load %arg7[%get3A_607, %get3A_608] {strides = array<i32>} : memref<640x64xf32, #tpu.memory_space<vmem>>, vector<1x16xf32>,
        %get3A_610 = vector.shape_cast %get3A_609 : vector<1x16xf32> to vector<16xf32>
        %get3A_611 = arith.index_cast %add3A_578 : i32 to index
        %get3A_612 = arith.constant 32 : index
        %get3A_613 = tpu.vector_load %arg8[%get3A_611, %get3A_612] {strides = array<i32>} : memref<640x64xf32, #tpu.memory_space<vmem>>, vector<1x16xf32>,
        %get3A_614 = vector.shape_cast %get3A_613 : vector<1x16xf32> to vector<16xf32>
        %add3A_615 = arith.addf %get3A_610, %get3A_614 : vector<16xf32>
        %swap3A_616 = arith.index_cast %add3A_578 : i32 to index
        %swap3A_617 = arith.constant 32 : index
        %swap3A_618 = tpu.vector_load %arg7[%swap3A_616, %swap3A_617] {strides = array<i32>} : memref<640x64xf32, #tpu.memory_space<vmem>>, vector<1x16xf32>,
        %swap3A_619 = vector.shape_cast %swap3A_618 : vector<1x16xf32> to vector<16xf32>
        %swap3A_620 = vector.shape_cast %add3A_615 : vector<16xf32> to vector<1x16xf32>
        tpu.vector_store %arg7[%swap3A_616, %swap3A_617], %swap3A_620 {strides = array<i32>} : memref<640x64xf32, #tpu.memory_space<vmem>>, vector<1x16xf32>,
        %get3A_621 = arith.index_cast %add3A_578 : i32 to index
        %get3A_622 = arith.constant 48 : index
        %get3A_623 = tpu.vector_load %arg7[%get3A_621, %get3A_622] {strides = array<i32>} : memref<640x64xf32, #tpu.memory_space<vmem>>, vector<1x16xf32>,
        %get3A_624 = vector.shape_cast %get3A_623 : vector<1x16xf32> to vector<16xf32>
        %get3A_625 = arith.index_cast %add3A_578 : i32 to index
        %get3A_626 = arith.constant 48 : index
        %get3A_627 = tpu.vector_load %arg8[%get3A_625, %get3A_626] {strides = array<i32>} : memref<640x64xf32, #tpu.memory_space<vmem>>, vector<1x16xf32>,
        %get3A_628 = vector.shape_cast %get3A_627 : vector<1x16xf32> to vector<16xf32>
        %add3A_629 = arith.addf %get3A_624, %get3A_628 : vector<16xf32>
        %swap3A_630 = arith.index_cast %add3A_578 : i32 to index
        %swap3A_631 = arith.constant 48 : index
        %swap3A_632 = tpu.vector_load %arg7[%swap3A_630, %swap3A_631] {strides = array<i32>} : memref<640x64xf32, #tpu.memory_space<vmem>>, vector<1x16xf32>,
        %swap3A_633 = vector.shape_cast %swap3A_632 : vector<1x16xf32> to vector<16xf32>
        %swap3A_634 = vector.shape_cast %add3A_629 : vector<16xf32> to vector<1x16xf32>
        tpu.vector_store %arg7[%swap3A_630, %swap3A_631], %swap3A_634 {strides = array<i32>} : memref<640x64xf32, #tpu.memory_space<vmem>>, vector<1x16xf32>,
        %mul3A_635 = arith.constant 16 : i32
        %mul3A_636 = arith.muli %scan3A_216, %mul3A_635 : i32
        %add3A_637 = arith.constant 7 : i32
        %add3A_638 = arith.addi %mul3A_636, %add3A_637 : i32
        %get3A_639 = arith.index_cast %add3A_638 : i32 to index
        %get3A_640 = arith.constant 0 : index
        %get3A_641 = tpu.vector_load %arg7[%get3A_639, %get3A_640] {strides = array<i32>} : memref<640x64xf32, #tpu.memory_space<vmem>>, vector<1x16xf32>,
        %get3A_642 = vector.shape_cast %get3A_641 : vector<1x16xf32> to vector<16xf32>
        %get3A_643 = arith.index_cast %add3A_638 : i32 to index
        %get3A_644 = arith.constant 0 : index
        %get3A_645 = tpu.vector_load %arg8[%get3A_643, %get3A_644] {strides = array<i32>} : memref<640x64xf32, #tpu.memory_space<vmem>>, vector<1x16xf32>,
        %get3A_646 = vector.shape_cast %get3A_645 : vector<1x16xf32> to vector<16xf32>
        %add3A_647 = arith.addf %get3A_642, %get3A_646 : vector<16xf32>
        %swap3A_648 = arith.index_cast %add3A_638 : i32 to index
        %swap3A_649 = arith.constant 0 : index
        %swap3A_650 = tpu.vector_load %arg7[%swap3A_648, %swap3A_649] {strides = array<i32>} : memref<640x64xf32, #tpu.memory_space<vmem>>, vector<1x16xf32>,
        %swap3A_651 = vector.shape_cast %swap3A_650 : vector<1x16xf32> to vector<16xf32>
        %swap3A_652 = vector.shape_cast %add3A_647 : vector<16xf32> to vector<1x16xf32>
        tpu.vector_store %arg7[%swap3A_648, %swap3A_649], %swap3A_652 {strides = array<i32>} : memref<640x64xf32, #tpu.memory_space<vmem>>, vector<1x16xf32>,
        %get3A_653 = arith.index_cast %add3A_638 : i32 to index
        %get3A_654 = arith.constant 16 : index
        %get3A_655 = tpu.vector_load %arg7[%get3A_653, %get3A_654] {strides = array<i32>} : memref<640x64xf32, #tpu.memory_space<vmem>>, vector<1x16xf32>,
        %get3A_656 = vector.shape_cast %get3A_655 : vector<1x16xf32> to vector<16xf32>
        %get3A_657 = arith.index_cast %add3A_638 : i32 to index
        %get3A_658 = arith.constant 16 : index
        %get3A_659 = tpu.vector_load %arg8[%get3A_657, %get3A_658] {strides = array<i32>} : memref<640x64xf32, #tpu.memory_space<vmem>>, vector<1x16xf32>,
        %get3A_660 = vector.shape_cast %get3A_659 : vector<1x16xf32> to vector<16xf32>
        %add3A_661 = arith.addf %get3A_656, %get3A_660 : vector<16xf32>
        %swap3A_662 = arith.index_cast %add3A_638 : i32 to index
        %swap3A_663 = arith.constant 16 : index
        %swap3A_664 = tpu.vector_load %arg7[%swap3A_662, %swap3A_663] {strides = array<i32>} : memref<640x64xf32, #tpu.memory_space<vmem>>, vector<1x16xf32>,
        %swap3A_665 = vector.shape_cast %swap3A_664 : vector<1x16xf32> to vector<16xf32>
        %swap3A_666 = vector.shape_cast %add3A_661 : vector<16xf32> to vector<1x16xf32>
        tpu.vector_store %arg7[%swap3A_662, %swap3A_663], %swap3A_666 {strides = array<i32>} : memref<640x64xf32, #tpu.memory_space<vmem>>, vector<1x16xf32>,
        %get3A_667 = arith.index_cast %add3A_638 : i32 to index
        %get3A_668 = arith.constant 32 : index
        %get3A_669 = tpu.vector_load %arg7[%get3A_667, %get3A_668] {strides = array<i32>} : memref<640x64xf32, #tpu.memory_space<vmem>>, vector<1x16xf32>,
        %get3A_670 = vector.shape_cast %get3A_669 : vector<1x16xf32> to vector<16xf32>
        %get3A_671 = arith.index_cast %add3A_638 : i32 to index
        %get3A_672 = arith.constant 32 : index
        %get3A_673 = tpu.vector_load %arg8[%get3A_671, %get3A_672] {strides = array<i32>} : memref<640x64xf32, #tpu.memory_space<vmem>>, vector<1x16xf32>,
        %get3A_674 = vector.shape_cast %get3A_673 : vector<1x16xf32> to vector<16xf32>
        %add3A_675 = arith.addf %get3A_670, %get3A_674 : vector<16xf32>
        %swap3A_676 = arith.index_cast %add3A_638 : i32 to index
        %swap3A_677 = arith.constant 32 : index
        %swap3A_678 = tpu.vector_load %arg7[%swap3A_676, %swap3A_677] {strides = array<i32>} : memref<640x64xf32, #tpu.memory_space<vmem>>, vector<1x16xf32>,
        %swap3A_679 = vector.shape_cast %swap3A_678 : vector<1x16xf32> to vector<16xf32>
        %swap3A_680 = vector.shape_cast %add3A_675 : vector<16xf32> to vector<1x16xf32>
        tpu.vector_store %arg7[%swap3A_676, %swap3A_677], %swap3A_680 {strides = array<i32>} : memref<640x64xf32, #tpu.memory_space<vmem>>, vector<1x16xf32>,
        %get3A_681 = arith.index_cast %add3A_638 : i32 to index
        %get3A_682 = arith.constant 48 : index
        %get3A_683 = tpu.vector_load %arg7[%get3A_681, %get3A_682] {strides = array<i32>} : memref<640x64xf32, #tpu.memory_space<vmem>>, vector<1x16xf32>,
        %get3A_684 = vector.shape_cast %get3A_683 : vector<1x16xf32> to vector<16xf32>
        %get3A_685 = arith.index_cast %add3A_638 : i32 to index
        %get3A_686 = arith.constant 48 : index
        %get3A_687 = tpu.vector_load %arg8[%get3A_685, %get3A_686] {strides = array<i32>} : memref<640x64xf32, #tpu.memory_space<vmem>>, vector<1x16xf32>,
        %get3A_688 = vector.shape_cast %get3A_687 : vector<1x16xf32> to vector<16xf32>
        %add3A_689 = arith.addf %get3A_684, %get3A_688 : vector<16xf32>
        %swap3A_690 = arith.index_cast %add3A_638 : i32 to index
        %swap3A_691 = arith.constant 48 : index
        %swap3A_692 = tpu.vector_load %arg7[%swap3A_690, %swap3A_691] {strides = array<i32>} : memref<640x64xf32, #tpu.memory_space<vmem>>, vector<1x16xf32>,
        %swap3A_693 = vector.shape_cast %swap3A_692 : vector<1x16xf32> to vector<16xf32>
        %swap3A_694 = vector.shape_cast %add3A_689 : vector<16xf32> to vector<1x16xf32>
        tpu.vector_store %arg7[%swap3A_690, %swap3A_691], %swap3A_694 {strides = array<i32>} : memref<640x64xf32, #tpu.memory_space<vmem>>, vector<1x16xf32>,
        %mul3A_695 = arith.constant 16 : i32
        %mul3A_696 = arith.muli %scan3A_216, %mul3A_695 : i32
        %add3A_697 = arith.constant 8 : i32
        %add3A_698 = arith.addi %mul3A_696, %add3A_697 : i32
        %get3A_699 = arith.index_cast %add3A_698 : i32 to index
        %get3A_700 = arith.constant 0 : index
        %get3A_701 = tpu.vector_load %arg7[%get3A_699, %get3A_700] {strides = array<i32>} : memref<640x64xf32, #tpu.memory_space<vmem>>, vector<1x16xf32>,
        %get3A_702 = vector.shape_cast %get3A_701 : vector<1x16xf32> to vector<16xf32>
        %get3A_703 = arith.index_cast %add3A_698 : i32 to index
        %get3A_704 = arith.constant 0 : index
        %get3A_705 = tpu.vector_load %arg8[%get3A_703, %get3A_704] {strides = array<i32>} : memref<640x64xf32, #tpu.memory_space<vmem>>, vector<1x16xf32>,
        %get3A_706 = vector.shape_cast %get3A_705 : vector<1x16xf32> to vector<16xf32>
        %add3A_707 = arith.addf %get3A_702, %get3A_706 : vector<16xf32>
        %swap3A_708 = arith.index_cast %add3A_698 : i32 to index
        %swap3A_709 = arith.constant 0 : index
        %swap3A_710 = tpu.vector_load %arg7[%swap3A_708, %swap3A_709] {strides = array<i32>} : memref<640x64xf32, #tpu.memory_space<vmem>>, vector<1x16xf32>,
        %swap3A_711 = vector.shape_cast %swap3A_710 : vector<1x16xf32> to vector<16xf32>
        %swap3A_712 = vector.shape_cast %add3A_707 : vector<16xf32> to vector<1x16xf32>
        tpu.vector_store %arg7[%swap3A_708, %swap3A_709], %swap3A_712 {strides = array<i32>} : memref<640x64xf32, #tpu.memory_space<vmem>>, vector<1x16xf32>,
        %get3A_713 = arith.index_cast %add3A_698 : i32 to index
        %get3A_714 = arith.constant 16 : index
        %get3A_715 = tpu.vector_load %arg7[%get3A_713, %get3A_714] {strides = array<i32>} : memref<640x64xf32, #tpu.memory_space<vmem>>, vector<1x16xf32>,
        %get3A_716 = vector.shape_cast %get3A_715 : vector<1x16xf32> to vector<16xf32>
        %get3A_717 = arith.index_cast %add3A_698 : i32 to index
        %get3A_718 = arith.constant 16 : index
        %get3A_719 = tpu.vector_load %arg8[%get3A_717, %get3A_718] {strides = array<i32>} : memref<640x64xf32, #tpu.memory_space<vmem>>, vector<1x16xf32>,
        %get3A_720 = vector.shape_cast %get3A_719 : vector<1x16xf32> to vector<16xf32>
        %add3A_721 = arith.addf %get3A_716, %get3A_720 : vector<16xf32>
        %swap3A_722 = arith.index_cast %add3A_698 : i32 to index
        %swap3A_723 = arith.constant 16 : index
        %swap3A_724 = tpu.vector_load %arg7[%swap3A_722, %swap3A_723] {strides = array<i32>} : memref<640x64xf32, #tpu.memory_space<vmem>>, vector<1x16xf32>,
        %swap3A_725 = vector.shape_cast %swap3A_724 : vector<1x16xf32> to vector<16xf32>
        %swap3A_726 = vector.shape_cast %add3A_721 : vector<16xf32> to vector<1x16xf32>
        tpu.vector_store %arg7[%swap3A_722, %swap3A_723], %swap3A_726 {strides = array<i32>} : memref<640x64xf32, #tpu.memory_space<vmem>>, vector<1x16xf32>,
        %get3A_727 = arith.index_cast %add3A_698 : i32 to index
        %get3A_728 = arith.constant 32 : index
        %get3A_729 = tpu.vector_load %arg7[%get3A_727, %get3A_728] {strides = array<i32>} : memref<640x64xf32, #tpu.memory_space<vmem>>, vector<1x16xf32>,
        %get3A_730 = vector.shape_cast %get3A_729 : vector<1x16xf32> to vector<16xf32>
        %get3A_731 = arith.index_cast %add3A_698 : i32 to index
        %get3A_732 = arith.constant 32 : index
        %get3A_733 = tpu.vector_load %arg8[%get3A_731, %get3A_732] {strides = array<i32>} : memref<640x64xf32, #tpu.memory_space<vmem>>, vector<1x16xf32>,
        %get3A_734 = vector.shape_cast %get3A_733 : vector<1x16xf32> to vector<16xf32>
        %add3A_735 = arith.addf %get3A_730, %get3A_734 : vector<16xf32>
        %swap3A_736 = arith.index_cast %add3A_698 : i32 to index
        %swap3A_737 = arith.constant 32 : index
        %swap3A_738 = tpu.vector_load %arg7[%swap3A_736, %swap3A_737] {strides = array<i32>} : memref<640x64xf32, #tpu.memory_space<vmem>>, vector<1x16xf32>,
        %swap3A_739 = vector.shape_cast %swap3A_738 : vector<1x16xf32> to vector<16xf32>
        %swap3A_740 = vector.shape_cast %add3A_735 : vector<16xf32> to vector<1x16xf32>
        tpu.vector_store %arg7[%swap3A_736, %swap3A_737], %swap3A_740 {strides = array<i32>} : memref<640x64xf32, #tpu.memory_space<vmem>>, vector<1x16xf32>,
        %get3A_741 = arith.index_cast %add3A_698 : i32 to index
        %get3A_742 = arith.constant 48 : index
        %get3A_743 = tpu.vector_load %arg7[%get3A_741, %get3A_742] {strides = array<i32>} : memref<640x64xf32, #tpu.memory_space<vmem>>, vector<1x16xf32>,
        %get3A_744 = vector.shape_cast %get3A_743 : vector<1x16xf32> to vector<16xf32>
        %get3A_745 = arith.index_cast %add3A_698 : i32 to index
        %get3A_746 = arith.constant 48 : index
        %get3A_747 = tpu.vector_load %arg8[%get3A_745, %get3A_746] {strides = array<i32>} : memref<640x64xf32, #tpu.memory_space<vmem>>, vector<1x16xf32>,
        %get3A_748 = vector.shape_cast %get3A_747 : vector<1x16xf32> to vector<16xf32>
        %add3A_749 = arith.addf %get3A_744, %get3A_748 : vector<16xf32>
        %swap3A_750 = arith.index_cast %add3A_698 : i32 to index
        %swap3A_751 = arith.constant 48 : index
        %swap3A_752 = tpu.vector_load %arg7[%swap3A_750, %swap3A_751] {strides = array<i32>} : memref<640x64xf32, #tpu.memory_space<vmem>>, vector<1x16xf32>,
        %swap3A_753 = vector.shape_cast %swap3A_752 : vector<1x16xf32> to vector<16xf32>
        %swap3A_754 = vector.shape_cast %add3A_749 : vector<16xf32> to vector<1x16xf32>
        tpu.vector_store %arg7[%swap3A_750, %swap3A_751], %swap3A_754 {strides = array<i32>} : memref<640x64xf32, #tpu.memory_space<vmem>>, vector<1x16xf32>,
        %mul3A_755 = arith.constant 16 : i32
        %mul3A_756 = arith.muli %scan3A_216, %mul3A_755 : i32
        %add3A_757 = arith.constant 9 : i32
        %add3A_758 = arith.addi %mul3A_756, %add3A_757 : i32
        %get3A_759 = arith.index_cast %add3A_758 : i32 to index
        %get3A_760 = arith.constant 0 : index
        %get3A_761 = tpu.vector_load %arg7[%get3A_759, %get3A_760] {strides = array<i32>} : memref<640x64xf32, #tpu.memory_space<vmem>>, vector<1x16xf32>,
        %get3A_762 = vector.shape_cast %get3A_761 : vector<1x16xf32> to vector<16xf32>
        %get3A_763 = arith.index_cast %add3A_758 : i32 to index
        %get3A_764 = arith.constant 0 : index
        %get3A_765 = tpu.vector_load %arg8[%get3A_763, %get3A_764] {strides = array<i32>} : memref<640x64xf32, #tpu.memory_space<vmem>>, vector<1x16xf32>,
        %get3A_766 = vector.shape_cast %get3A_765 : vector<1x16xf32> to vector<16xf32>
        %add3A_767 = arith.addf %get3A_762, %get3A_766 : vector<16xf32>
        %swap3A_768 = arith.index_cast %add3A_758 : i32 to index
        %swap3A_769 = arith.constant 0 : index
        %swap3A_770 = tpu.vector_load %arg7[%swap3A_768, %swap3A_769] {strides = array<i32>} : memref<640x64xf32, #tpu.memory_space<vmem>>, vector<1x16xf32>,
        %swap3A_771 = vector.shape_cast %swap3A_770 : vector<1x16xf32> to vector<16xf32>
        %swap3A_772 = vector.shape_cast %add3A_767 : vector<16xf32> to vector<1x16xf32>
        tpu.vector_store %arg7[%swap3A_768, %swap3A_769], %swap3A_772 {strides = array<i32>} : memref<640x64xf32, #tpu.memory_space<vmem>>, vector<1x16xf32>,
        %get3A_773 = arith.index_cast %add3A_758 : i32 to index
        %get3A_774 = arith.constant 16 : index
        %get3A_775 = tpu.vector_load %arg7[%get3A_773, %get3A_774] {strides = array<i32>} : memref<640x64xf32, #tpu.memory_space<vmem>>, vector<1x16xf32>,
        %get3A_776 = vector.shape_cast %get3A_775 : vector<1x16xf32> to vector<16xf32>
        %get3A_777 = arith.index_cast %add3A_758 : i32 to index
        %get3A_778 = arith.constant 16 : index
        %get3A_779 = tpu.vector_load %arg8[%get3A_777, %get3A_778] {strides = array<i32>} : memref<640x64xf32, #tpu.memory_space<vmem>>, vector<1x16xf32>,
        %get3A_780 = vector.shape_cast %get3A_779 : vector<1x16xf32> to vector<16xf32>
        %add3A_781 = arith.addf %get3A_776, %get3A_780 : vector<16xf32>
        %swap3A_782 = arith.index_cast %add3A_758 : i32 to index
        %swap3A_783 = arith.constant 16 : index
        %swap3A_784 = tpu.vector_load %arg7[%swap3A_782, %swap3A_783] {strides = array<i32>} : memref<640x64xf32, #tpu.memory_space<vmem>>, vector<1x16xf32>,
        %swap3A_785 = vector.shape_cast %swap3A_784 : vector<1x16xf32> to vector<16xf32>
        %swap3A_786 = vector.shape_cast %add3A_781 : vector<16xf32> to vector<1x16xf32>
        tpu.vector_store %arg7[%swap3A_782, %swap3A_783], %swap3A_786 {strides = array<i32>} : memref<640x64xf32, #tpu.memory_space<vmem>>, vector<1x16xf32>,
        %get3A_787 = arith.index_cast %add3A_758 : i32 to index
        %get3A_788 = arith.constant 32 : index
        %get3A_789 = tpu.vector_load %arg7[%get3A_787, %get3A_788] {strides = array<i32>} : memref<640x64xf32, #tpu.memory_space<vmem>>, vector<1x16xf32>,
        %get3A_790 = vector.shape_cast %get3A_789 : vector<1x16xf32> to vector<16xf32>
        %get3A_791 = arith.index_cast %add3A_758 : i32 to index
        %get3A_792 = arith.constant 32 : index
        %get3A_793 = tpu.vector_load %arg8[%get3A_791, %get3A_792] {strides = array<i32>} : memref<640x64xf32, #tpu.memory_space<vmem>>, vector<1x16xf32>,
        %get3A_794 = vector.shape_cast %get3A_793 : vector<1x16xf32> to vector<16xf32>
        %add3A_795 = arith.addf %get3A_790, %get3A_794 : vector<16xf32>
        %swap3A_796 = arith.index_cast %add3A_758 : i32 to index
        %swap3A_797 = arith.constant 32 : index
        %swap3A_798 = tpu.vector_load %arg7[%swap3A_796, %swap3A_797] {strides = array<i32>} : memref<640x64xf32, #tpu.memory_space<vmem>>, vector<1x16xf32>,
        %swap3A_799 = vector.shape_cast %swap3A_798 : vector<1x16xf32> to vector<16xf32>
        %swap3A_800 = vector.shape_cast %add3A_795 : vector<16xf32> to vector<1x16xf32>
        tpu.vector_store %arg7[%swap3A_796, %swap3A_797], %swap3A_800 {strides = array<i32>} : memref<640x64xf32, #tpu.memory_space<vmem>>, vector<1x16xf32>,
        %get3A_801 = arith.index_cast %add3A_758 : i32 to index
        %get3A_802 = arith.constant 48 : index
        %get3A_803 = tpu.vector_load %arg7[%get3A_801, %get3A_802] {strides = array<i32>} : memref<640x64xf32, #tpu.memory_space<vmem>>, vector<1x16xf32>,
        %get3A_804 = vector.shape_cast %get3A_803 : vector<1x16xf32> to vector<16xf32>
        %get3A_805 = arith.index_cast %add3A_758 : i32 to index
        %get3A_806 = arith.constant 48 : index
        %get3A_807 = tpu.vector_load %arg8[%get3A_805, %get3A_806] {strides = array<i32>} : memref<640x64xf32, #tpu.memory_space<vmem>>, vector<1x16xf32>,
        %get3A_808 = vector.shape_cast %get3A_807 : vector<1x16xf32> to vector<16xf32>
        %add3A_809 = arith.addf %get3A_804, %get3A_808 : vector<16xf32>
        %swap3A_810 = arith.index_cast %add3A_758 : i32 to index
        %swap3A_811 = arith.constant 48 : index
        %swap3A_812 = tpu.vector_load %arg7[%swap3A_810, %swap3A_811] {strides = array<i32>} : memref<640x64xf32, #tpu.memory_space<vmem>>, vector<1x16xf32>,
        %swap3A_813 = vector.shape_cast %swap3A_812 : vector<1x16xf32> to vector<16xf32>
        %swap3A_814 = vector.shape_cast %add3A_809 : vector<16xf32> to vector<1x16xf32>
        tpu.vector_store %arg7[%swap3A_810, %swap3A_811], %swap3A_814 {strides = array<i32>} : memref<640x64xf32, #tpu.memory_space<vmem>>, vector<1x16xf32>,
        %mul3A_815 = arith.constant 16 : i32
        %mul3A_816 = arith.muli %scan3A_216, %mul3A_815 : i32
        %add3A_817 = arith.constant 10 : i32
        %add3A_818 = arith.addi %mul3A_816, %add3A_817 : i32
        %get3A_819 = arith.index_cast %add3A_818 : i32 to index
        %get3A_820 = arith.constant 0 : index
        %get3A_821 = tpu.vector_load %arg7[%get3A_819, %get3A_820] {strides = array<i32>} : memref<640x64xf32, #tpu.memory_space<vmem>>, vector<1x16xf32>,
        %get3A_822 = vector.shape_cast %get3A_821 : vector<1x16xf32> to vector<16xf32>
        %get3A_823 = arith.index_cast %add3A_818 : i32 to index
        %get3A_824 = arith.constant 0 : index
        %get3A_825 = tpu.vector_load %arg8[%get3A_823, %get3A_824] {strides = array<i32>} : memref<640x64xf32, #tpu.memory_space<vmem>>, vector<1x16xf32>,
        %get3A_826 = vector.shape_cast %get3A_825 : vector<1x16xf32> to vector<16xf32>
        %add3A_827 = arith.addf %get3A_822, %get3A_826 : vector<16xf32>
        %swap3A_828 = arith.index_cast %add3A_818 : i32 to index
        %swap3A_829 = arith.constant 0 : index
        %swap3A_830 = tpu.vector_load %arg7[%swap3A_828, %swap3A_829] {strides = array<i32>} : memref<640x64xf32, #tpu.memory_space<vmem>>, vector<1x16xf32>,
        %swap3A_831 = vector.shape_cast %swap3A_830 : vector<1x16xf32> to vector<16xf32>
        %swap3A_832 = vector.shape_cast %add3A_827 : vector<16xf32> to vector<1x16xf32>
        tpu.vector_store %arg7[%swap3A_828, %swap3A_829], %swap3A_832 {strides = array<i32>} : memref<640x64xf32, #tpu.memory_space<vmem>>, vector<1x16xf32>,
        %get3A_833 = arith.index_cast %add3A_818 : i32 to index
        %get3A_834 = arith.constant 16 : index
        %get3A_835 = tpu.vector_load %arg7[%get3A_833, %get3A_834] {strides = array<i32>} : memref<640x64xf32, #tpu.memory_space<vmem>>, vector<1x16xf32>,
        %get3A_836 = vector.shape_cast %get3A_835 : vector<1x16xf32> to vector<16xf32>
        %get3A_837 = arith.index_cast %add3A_818 : i32 to index
        %get3A_838 = arith.constant 16 : index
        %get3A_839 = tpu.vector_load %arg8[%get3A_837, %get3A_838] {strides = array<i32>} : memref<640x64xf32, #tpu.memory_space<vmem>>, vector<1x16xf32>,
        %get3A_840 = vector.shape_cast %get3A_839 : vector<1x16xf32> to vector<16xf32>
        %add3A_841 = arith.addf %get3A_836, %get3A_840 : vector<16xf32>
        %swap3A_842 = arith.index_cast %add3A_818 : i32 to index
        %swap3A_843 = arith.constant 16 : index
        %swap3A_844 = tpu.vector_load %arg7[%swap3A_842, %swap3A_843] {strides = array<i32>} : memref<640x64xf32, #tpu.memory_space<vmem>>, vector<1x16xf32>,
        %swap3A_845 = vector.shape_cast %swap3A_844 : vector<1x16xf32> to vector<16xf32>
        %swap3A_846 = vector.shape_cast %add3A_841 : vector<16xf32> to vector<1x16xf32>
        tpu.vector_store %arg7[%swap3A_842, %swap3A_843], %swap3A_846 {strides = array<i32>} : memref<640x64xf32, #tpu.memory_space<vmem>>, vector<1x16xf32>,
        %get3A_847 = arith.index_cast %add3A_818 : i32 to index
        %get3A_848 = arith.constant 32 : index
        %get3A_849 = tpu.vector_load %arg7[%get3A_847, %get3A_848] {strides = array<i32>} : memref<640x64xf32, #tpu.memory_space<vmem>>, vector<1x16xf32>,
        %get3A_850 = vector.shape_cast %get3A_849 : vector<1x16xf32> to vector<16xf32>
        %get3A_851 = arith.index_cast %add3A_818 : i32 to index
        %get3A_852 = arith.constant 32 : index
        %get3A_853 = tpu.vector_load %arg8[%get3A_851, %get3A_852] {strides = array<i32>} : memref<640x64xf32, #tpu.memory_space<vmem>>, vector<1x16xf32>,
        %get3A_854 = vector.shape_cast %get3A_853 : vector<1x16xf32> to vector<16xf32>
        %add3A_855 = arith.addf %get3A_850, %get3A_854 : vector<16xf32>
        %swap3A_856 = arith.index_cast %add3A_818 : i32 to index
        %swap3A_857 = arith.constant 32 : index
        %swap3A_858 = tpu.vector_load %arg7[%swap3A_856, %swap3A_857] {strides = array<i32>} : memref<640x64xf32, #tpu.memory_space<vmem>>, vector<1x16xf32>,
        %swap3A_859 = vector.shape_cast %swap3A_858 : vector<1x16xf32> to vector<16xf32>
        %swap3A_860 = vector.shape_cast %add3A_855 : vector<16xf32> to vector<1x16xf32>
        tpu.vector_store %arg7[%swap3A_856, %swap3A_857], %swap3A_860 {strides = array<i32>} : memref<640x64xf32, #tpu.memory_space<vmem>>, vector<1x16xf32>,
        %get3A_861 = arith.index_cast %add3A_818 : i32 to index
        %get3A_862 = arith.constant 48 : index
        %get3A_863 = tpu.vector_load %arg7[%get3A_861, %get3A_862] {strides = array<i32>} : memref<640x64xf32, #tpu.memory_space<vmem>>, vector<1x16xf32>,
        %get3A_864 = vector.shape_cast %get3A_863 : vector<1x16xf32> to vector<16xf32>
        %get3A_865 = arith.index_cast %add3A_818 : i32 to index
        %get3A_866 = arith.constant 48 : index
        %get3A_867 = tpu.vector_load %arg8[%get3A_865, %get3A_866] {strides = array<i32>} : memref<640x64xf32, #tpu.memory_space<vmem>>, vector<1x16xf32>,
        %get3A_868 = vector.shape_cast %get3A_867 : vector<1x16xf32> to vector<16xf32>
        %add3A_869 = arith.addf %get3A_864, %get3A_868 : vector<16xf32>
        %swap3A_870 = arith.index_cast %add3A_818 : i32 to index
        %swap3A_871 = arith.constant 48 : index
        %swap3A_872 = tpu.vector_load %arg7[%swap3A_870, %swap3A_871] {strides = array<i32>} : memref<640x64xf32, #tpu.memory_space<vmem>>, vector<1x16xf32>,
        %swap3A_873 = vector.shape_cast %swap3A_872 : vector<1x16xf32> to vector<16xf32>
        %swap3A_874 = vector.shape_cast %add3A_869 : vector<16xf32> to vector<1x16xf32>
        tpu.vector_store %arg7[%swap3A_870, %swap3A_871], %swap3A_874 {strides = array<i32>} : memref<640x64xf32, #tpu.memory_space<vmem>>, vector<1x16xf32>,
        %mul3A_875 = arith.constant 16 : i32
        %mul3A_876 = arith.muli %scan3A_216, %mul3A_875 : i32
        %add3A_877 = arith.constant 11 : i32
        %add3A_878 = arith.addi %mul3A_876, %add3A_877 : i32
        %get3A_879 = arith.index_cast %add3A_878 : i32 to index
        %get3A_880 = arith.constant 0 : index
        %get3A_881 = tpu.vector_load %arg7[%get3A_879, %get3A_880] {strides = array<i32>} : memref<640x64xf32, #tpu.memory_space<vmem>>, vector<1x16xf32>,
        %get3A_882 = vector.shape_cast %get3A_881 : vector<1x16xf32> to vector<16xf32>
        %get3A_883 = arith.index_cast %add3A_878 : i32 to index
        %get3A_884 = arith.constant 0 : index
        %get3A_885 = tpu.vector_load %arg8[%get3A_883, %get3A_884] {strides = array<i32>} : memref<640x64xf32, #tpu.memory_space<vmem>>, vector<1x16xf32>,
        %get3A_886 = vector.shape_cast %get3A_885 : vector<1x16xf32> to vector<16xf32>
        %add3A_887 = arith.addf %get3A_882, %get3A_886 : vector<16xf32>
        %swap3A_888 = arith.index_cast %add3A_878 : i32 to index
        %swap3A_889 = arith.constant 0 : index
        %swap3A_890 = tpu.vector_load %arg7[%swap3A_888, %swap3A_889] {strides = array<i32>} : memref<640x64xf32, #tpu.memory_space<vmem>>, vector<1x16xf32>,
        %swap3A_891 = vector.shape_cast %swap3A_890 : vector<1x16xf32> to vector<16xf32>
        %swap3A_892 = vector.shape_cast %add3A_887 : vector<16xf32> to vector<1x16xf32>
        tpu.vector_store %arg7[%swap3A_888, %swap3A_889], %swap3A_892 {strides = array<i32>} : memref<640x64xf32, #tpu.memory_space<vmem>>, vector<1x16xf32>,
        %get3A_893 = arith.index_cast %add3A_878 : i32 to index
        %get3A_894 = arith.constant 16 : index
        %get3A_895 = tpu.vector_load %arg7[%get3A_893, %get3A_894] {strides = array<i32>} : memref<640x64xf32, #tpu.memory_space<vmem>>, vector<1x16xf32>,
        %get3A_896 = vector.shape_cast %get3A_895 : vector<1x16xf32> to vector<16xf32>
        %get3A_897 = arith.index_cast %add3A_878 : i32 to index
        %get3A_898 = arith.constant 16 : index
        %get3A_899 = tpu.vector_load %arg8[%get3A_897, %get3A_898] {strides = array<i32>} : memref<640x64xf32, #tpu.memory_space<vmem>>, vector<1x16xf32>,
        %get3A_900 = vector.shape_cast %get3A_899 : vector<1x16xf32> to vector<16xf32>
        %add3A_901 = arith.addf %get3A_896, %get3A_900 : vector<16xf32>
        %swap3A_902 = arith.index_cast %add3A_878 : i32 to index
        %swap3A_903 = arith.constant 16 : index
        %swap3A_904 = tpu.vector_load %arg7[%swap3A_902, %swap3A_903] {strides = array<i32>} : memref<640x64xf32, #tpu.memory_space<vmem>>, vector<1x16xf32>,
        %swap3A_905 = vector.shape_cast %swap3A_904 : vector<1x16xf32> to vector<16xf32>
        %swap3A_906 = vector.shape_cast %add3A_901 : vector<16xf32> to vector<1x16xf32>
        tpu.vector_store %arg7[%swap3A_902, %swap3A_903], %swap3A_906 {strides = array<i32>} : memref<640x64xf32, #tpu.memory_space<vmem>>, vector<1x16xf32>,
        %get3A_907 = arith.index_cast %add3A_878 : i32 to index
        %get3A_908 = arith.constant 32 : index
        %get3A_909 = tpu.vector_load %arg7[%get3A_907, %get3A_908] {strides = array<i32>} : memref<640x64xf32, #tpu.memory_space<vmem>>, vector<1x16xf32>,
        %get3A_910 = vector.shape_cast %get3A_909 : vector<1x16xf32> to vector<16xf32>
        %get3A_911 = arith.index_cast %add3A_878 : i32 to index
        %get3A_912 = arith.constant 32 : index
        %get3A_913 = tpu.vector_load %arg8[%get3A_911, %get3A_912] {strides = array<i32>} : memref<640x64xf32, #tpu.memory_space<vmem>>, vector<1x16xf32>,
        %get3A_914 = vector.shape_cast %get3A_913 : vector<1x16xf32> to vector<16xf32>
        %add3A_915 = arith.addf %get3A_910, %get3A_914 : vector<16xf32>
        %swap3A_916 = arith.index_cast %add3A_878 : i32 to index
        %swap3A_917 = arith.constant 32 : index
        %swap3A_918 = tpu.vector_load %arg7[%swap3A_916, %swap3A_917] {strides = array<i32>} : memref<640x64xf32, #tpu.memory_space<vmem>>, vector<1x16xf32>,
        %swap3A_919 = vector.shape_cast %swap3A_918 : vector<1x16xf32> to vector<16xf32>
        %swap3A_920 = vector.shape_cast %add3A_915 : vector<16xf32> to vector<1x16xf32>
        tpu.vector_store %arg7[%swap3A_916, %swap3A_917], %swap3A_920 {strides = array<i32>} : memref<640x64xf32, #tpu.memory_space<vmem>>, vector<1x16xf32>,
        %get3A_921 = arith.index_cast %add3A_878 : i32 to index
        %get3A_922 = arith.constant 48 : index
        %get3A_923 = tpu.vector_load %arg7[%get3A_921, %get3A_922] {strides = array<i32>} : memref<640x64xf32, #tpu.memory_space<vmem>>, vector<1x16xf32>,
        %get3A_924 = vector.shape_cast %get3A_923 : vector<1x16xf32> to vector<16xf32>
        %get3A_925 = arith.index_cast %add3A_878 : i32 to index
        %get3A_926 = arith.constant 48 : index
        %get3A_927 = tpu.vector_load %arg8[%get3A_925, %get3A_926] {strides = array<i32>} : memref<640x64xf32, #tpu.memory_space<vmem>>, vector<1x16xf32>,
        %get3A_928 = vector.shape_cast %get3A_927 : vector<1x16xf32> to vector<16xf32>
        %add3A_929 = arith.addf %get3A_924, %get3A_928 : vector<16xf32>
        %swap3A_930 = arith.index_cast %add3A_878 : i32 to index
        %swap3A_931 = arith.constant 48 : index
        %swap3A_932 = tpu.vector_load %arg7[%swap3A_930, %swap3A_931] {strides = array<i32>} : memref<640x64xf32, #tpu.memory_space<vmem>>, vector<1x16xf32>,
        %swap3A_933 = vector.shape_cast %swap3A_932 : vector<1x16xf32> to vector<16xf32>
        %swap3A_934 = vector.shape_cast %add3A_929 : vector<16xf32> to vector<1x16xf32>
        tpu.vector_store %arg7[%swap3A_930, %swap3A_931], %swap3A_934 {strides = array<i32>} : memref<640x64xf32, #tpu.memory_space<vmem>>, vector<1x16xf32>,
        %mul3A_935 = arith.constant 16 : i32
        %mul3A_936 = arith.muli %scan3A_216, %mul3A_935 : i32
        %add3A_937 = arith.constant 12 : i32
        %add3A_938 = arith.addi %mul3A_936, %add3A_937 : i32
        %get3A_939 = arith.index_cast %add3A_938 : i32 to index
        %get3A_940 = arith.constant 0 : index
        %get3A_941 = tpu.vector_load %arg7[%get3A_939, %get3A_940] {strides = array<i32>} : memref<640x64xf32, #tpu.memory_space<vmem>>, vector<1x16xf32>,
        %get3A_942 = vector.shape_cast %get3A_941 : vector<1x16xf32> to vector<16xf32>
        %get3A_943 = arith.index_cast %add3A_938 : i32 to index
        %get3A_944 = arith.constant 0 : index
        %get3A_945 = tpu.vector_load %arg8[%get3A_943, %get3A_944] {strides = array<i32>} : memref<640x64xf32, #tpu.memory_space<vmem>>, vector<1x16xf32>,
        %get3A_946 = vector.shape_cast %get3A_945 : vector<1x16xf32> to vector<16xf32>
        %add3A_947 = arith.addf %get3A_942, %get3A_946 : vector<16xf32>
        %swap3A_948 = arith.index_cast %add3A_938 : i32 to index
        %swap3A_949 = arith.constant 0 : index
        %swap3A_950 = tpu.vector_load %arg7[%swap3A_948, %swap3A_949] {strides = array<i32>} : memref<640x64xf32, #tpu.memory_space<vmem>>, vector<1x16xf32>,
        %swap3A_951 = vector.shape_cast %swap3A_950 : vector<1x16xf32> to vector<16xf32>
        %swap3A_952 = vector.shape_cast %add3A_947 : vector<16xf32> to vector<1x16xf32>
        tpu.vector_store %arg7[%swap3A_948, %swap3A_949], %swap3A_952 {strides = array<i32>} : memref<640x64xf32, #tpu.memory_space<vmem>>, vector<1x16xf32>,
        %get3A_953 = arith.index_cast %add3A_938 : i32 to index
        %get3A_954 = arith.constant 16 : index
        %get3A_955 = tpu.vector_load %arg7[%get3A_953, %get3A_954] {strides = array<i32>} : memref<640x64xf32, #tpu.memory_space<vmem>>, vector<1x16xf32>,
        %get3A_956 = vector.shape_cast %get3A_955 : vector<1x16xf32> to vector<16xf32>
        %get3A_957 = arith.index_cast %add3A_938 : i32 to index
        %get3A_958 = arith.constant 16 : index
        %get3A_959 = tpu.vector_load %arg8[%get3A_957, %get3A_958] {strides = array<i32>} : memref<640x64xf32, #tpu.memory_space<vmem>>, vector<1x16xf32>,
        %get3A_960 = vector.shape_cast %get3A_959 : vector<1x16xf32> to vector<16xf32>
        %add3A_961 = arith.addf %get3A_956, %get3A_960 : vector<16xf32>
        %swap3A_962 = arith.index_cast %add3A_938 : i32 to index
        %swap3A_963 = arith.constant 16 : index
        %swap3A_964 = tpu.vector_load %arg7[%swap3A_962, %swap3A_963] {strides = array<i32>} : memref<640x64xf32, #tpu.memory_space<vmem>>, vector<1x16xf32>,
        %swap3A_965 = vector.shape_cast %swap3A_964 : vector<1x16xf32> to vector<16xf32>
        %swap3A_966 = vector.shape_cast %add3A_961 : vector<16xf32> to vector<1x16xf32>
        tpu.vector_store %arg7[%swap3A_962, %swap3A_963], %swap3A_966 {strides = array<i32>} : memref<640x64xf32, #tpu.memory_space<vmem>>, vector<1x16xf32>,
        %get3A_967 = arith.index_cast %add3A_938 : i32 to index
        %get3A_968 = arith.constant 32 : index
        %get3A_969 = tpu.vector_load %arg7[%get3A_967, %get3A_968] {strides = array<i32>} : memref<640x64xf32, #tpu.memory_space<vmem>>, vector<1x16xf32>,
        %get3A_970 = vector.shape_cast %get3A_969 : vector<1x16xf32> to vector<16xf32>
        %get3A_971 = arith.index_cast %add3A_938 : i32 to index
        %get3A_972 = arith.constant 32 : index
        %get3A_973 = tpu.vector_load %arg8[%get3A_971, %get3A_972] {strides = array<i32>} : memref<640x64xf32, #tpu.memory_space<vmem>>, vector<1x16xf32>,
        %get3A_974 = vector.shape_cast %get3A_973 : vector<1x16xf32> to vector<16xf32>
        %add3A_975 = arith.addf %get3A_970, %get3A_974 : vector<16xf32>
        %swap3A_976 = arith.index_cast %add3A_938 : i32 to index
        %swap3A_977 = arith.constant 32 : index
        %swap3A_978 = tpu.vector_load %arg7[%swap3A_976, %swap3A_977] {strides = array<i32>} : memref<640x64xf32, #tpu.memory_space<vmem>>, vector<1x16xf32>,
        %swap3A_979 = vector.shape_cast %swap3A_978 : vector<1x16xf32> to vector<16xf32>
        %swap3A_980 = vector.shape_cast %add3A_975 : vector<16xf32> to vector<1x16xf32>
        tpu.vector_store %arg7[%swap3A_976, %swap3A_977], %swap3A_980 {strides = array<i32>} : memref<640x64xf32, #tpu.memory_space<vmem>>, vector<1x16xf32>,
        %get3A_981 = arith.index_cast %add3A_938 : i32 to index
        %get3A_982 = arith.constant 48 : index
        %get3A_983 = tpu.vector_load %arg7[%get3A_981, %get3A_982] {strides = array<i32>} : memref<640x64xf32, #tpu.memory_space<vmem>>, vector<1x16xf32>,
        %get3A_984 = vector.shape_cast %get3A_983 : vector<1x16xf32> to vector<16xf32>
        %get3A_985 = arith.index_cast %add3A_938 : i32 to index
        %get3A_986 = arith.constant 48 : index
        %get3A_987 = tpu.vector_load %arg8[%get3A_985, %get3A_986] {strides = array<i32>} : memref<640x64xf32, #tpu.memory_space<vmem>>, vector<1x16xf32>,
        %get3A_988 = vector.shape_cast %get3A_987 : vector<1x16xf32> to vector<16xf32>
        %add3A_989 = arith.addf %get3A_984, %get3A_988 : vector<16xf32>
        %swap3A_990 = arith.index_cast %add3A_938 : i32 to index
        %swap3A_991 = arith.constant 48 : index
        %swap3A_992 = tpu.vector_load %arg7[%swap3A_990, %swap3A_991] {strides = array<i32>} : memref<640x64xf32, #tpu.memory_space<vmem>>, vector<1x16xf32>,
        %swap3A_993 = vector.shape_cast %swap3A_992 : vector<1x16xf32> to vector<16xf32>
        %swap3A_994 = vector.shape_cast %add3A_989 : vector<16xf32> to vector<1x16xf32>
        tpu.vector_store %arg7[%swap3A_990, %swap3A_991], %swap3A_994 {strides = array<i32>} : memref<640x64xf32, #tpu.memory_space<vmem>>, vector<1x16xf32>,
        %mul3A_995 = arith.constant 16 : i32
        %mul3A_996 = arith.muli %scan3A_216, %mul3A_995 : i32
        %add3A_997 = arith.constant 13 : i32
        %add3A_998 = arith.addi %mul3A_996, %add3A_997 : i32
        %get3A_999 = arith.index_cast %add3A_998 : i32 to index
        %get3A_1000 = arith.constant 0 : index
        %get3A_1001 = tpu.vector_load %arg7[%get3A_999, %get3A_1000] {strides = array<i32>} : memref<640x64xf32, #tpu.memory_space<vmem>>, vector<1x16xf32>,
        %get3A_1002 = vector.shape_cast %get3A_1001 : vector<1x16xf32> to vector<16xf32>
        %get3A_1003 = arith.index_cast %add3A_998 : i32 to index
        %get3A_1004 = arith.constant 0 : index
        %get3A_1005 = tpu.vector_load %arg8[%get3A_1003, %get3A_1004] {strides = array<i32>} : memref<640x64xf32, #tpu.memory_space<vmem>>, vector<1x16xf32>,
        %get3A_1006 = vector.shape_cast %get3A_1005 : vector<1x16xf32> to vector<16xf32>
        %add3A_1007 = arith.addf %get3A_1002, %get3A_1006 : vector<16xf32>
        %swap3A_1008 = arith.index_cast %add3A_998 : i32 to index
        %swap3A_1009 = arith.constant 0 : index
        %swap3A_1010 = tpu.vector_load %arg7[%swap3A_1008, %swap3A_1009] {strides = array<i32>} : memref<640x64xf32, #tpu.memory_space<vmem>>, vector<1x16xf32>,
        %swap3A_1011 = vector.shape_cast %swap3A_1010 : vector<1x16xf32> to vector<16xf32>
        %swap3A_1012 = vector.shape_cast %add3A_1007 : vector<16xf32> to vector<1x16xf32>
        tpu.vector_store %arg7[%swap3A_1008, %swap3A_1009], %swap3A_1012 {strides = array<i32>} : memref<640x64xf32, #tpu.memory_space<vmem>>, vector<1x16xf32>,
        %get3A_1013 = arith.index_cast %add3A_998 : i32 to index
        %get3A_1014 = arith.constant 16 : index
        %get3A_1015 = tpu.vector_load %arg7[%get3A_1013, %get3A_1014] {strides = array<i32>} : memref<640x64xf32, #tpu.memory_space<vmem>>, vector<1x16xf32>,
        %get3A_1016 = vector.shape_cast %get3A_1015 : vector<1x16xf32> to vector<16xf32>
        %get3A_1017 = arith.index_cast %add3A_998 : i32 to index
        %get3A_1018 = arith.constant 16 : index
        %get3A_1019 = tpu.vector_load %arg8[%get3A_1017, %get3A_1018] {strides = array<i32>} : memref<640x64xf32, #tpu.memory_space<vmem>>, vector<1x16xf32>,
        %get3A_1020 = vector.shape_cast %get3A_1019 : vector<1x16xf32> to vector<16xf32>
        %add3A_1021 = arith.addf %get3A_1016, %get3A_1020 : vector<16xf32>
        %swap3A_1022 = arith.index_cast %add3A_998 : i32 to index
        %swap3A_1023 = arith.constant 16 : index
        %swap3A_1024 = tpu.vector_load %arg7[%swap3A_1022, %swap3A_1023] {strides = array<i32>} : memref<640x64xf32, #tpu.memory_space<vmem>>, vector<1x16xf32>,
        %swap3A_1025 = vector.shape_cast %swap3A_1024 : vector<1x16xf32> to vector<16xf32>
        %swap3A_1026 = vector.shape_cast %add3A_1021 : vector<16xf32> to vector<1x16xf32>
        tpu.vector_store %arg7[%swap3A_1022, %swap3A_1023], %swap3A_1026 {strides = array<i32>} : memref<640x64xf32, #tpu.memory_space<vmem>>, vector<1x16xf32>,
        %get3A_1027 = arith.index_cast %add3A_998 : i32 to index
        %get3A_1028 = arith.constant 32 : index
        %get3A_1029 = tpu.vector_load %arg7[%get3A_1027, %get3A_1028] {strides = array<i32>} : memref<640x64xf32, #tpu.memory_space<vmem>>, vector<1x16xf32>,
        %get3A_1030 = vector.shape_cast %get3A_1029 : vector<1x16xf32> to vector<16xf32>
        %get3A_1031 = arith.index_cast %add3A_998 : i32 to index
        %get3A_1032 = arith.constant 32 : index
        %get3A_1033 = tpu.vector_load %arg8[%get3A_1031, %get3A_1032] {strides = array<i32>} : memref<640x64xf32, #tpu.memory_space<vmem>>, vector<1x16xf32>,
        %get3A_1034 = vector.shape_cast %get3A_1033 : vector<1x16xf32> to vector<16xf32>
        %add3A_1035 = arith.addf %get3A_1030, %get3A_1034 : vector<16xf32>
        %swap3A_1036 = arith.index_cast %add3A_998 : i32 to index
        %swap3A_1037 = arith.constant 32 : index
        %swap3A_1038 = tpu.vector_load %arg7[%swap3A_1036, %swap3A_1037] {strides = array<i32>} : memref<640x64xf32, #tpu.memory_space<vmem>>, vector<1x16xf32>,
        %swap3A_1039 = vector.shape_cast %swap3A_1038 : vector<1x16xf32> to vector<16xf32>
        %swap3A_1040 = vector.shape_cast %add3A_1035 : vector<16xf32> to vector<1x16xf32>
        tpu.vector_store %arg7[%swap3A_1036, %swap3A_1037], %swap3A_1040 {strides = array<i32>} : memref<640x64xf32, #tpu.memory_space<vmem>>, vector<1x16xf32>,
        %get3A_1041 = arith.index_cast %add3A_998 : i32 to index
        %get3A_1042 = arith.constant 48 : index
        %get3A_1043 = tpu.vector_load %arg7[%get3A_1041, %get3A_1042] {strides = array<i32>} : memref<640x64xf32, #tpu.memory_space<vmem>>, vector<1x16xf32>,
        %get3A_1044 = vector.shape_cast %get3A_1043 : vector<1x16xf32> to vector<16xf32>
        %get3A_1045 = arith.index_cast %add3A_998 : i32 to index
        %get3A_1046 = arith.constant 48 : index
        %get3A_1047 = tpu.vector_load %arg8[%get3A_1045, %get3A_1046] {strides = array<i32>} : memref<640x64xf32, #tpu.memory_space<vmem>>, vector<1x16xf32>,
        %get3A_1048 = vector.shape_cast %get3A_1047 : vector<1x16xf32> to vector<16xf32>
        %add3A_1049 = arith.addf %get3A_1044, %get3A_1048 : vector<16xf32>
        %swap3A_1050 = arith.index_cast %add3A_998 : i32 to index
        %swap3A_1051 = arith.constant 48 : index
        %swap3A_1052 = tpu.vector_load %arg7[%swap3A_1050, %swap3A_1051] {strides = array<i32>} : memref<640x64xf32, #tpu.memory_space<vmem>>, vector<1x16xf32>,
        %swap3A_1053 = vector.shape_cast %swap3A_1052 : vector<1x16xf32> to vector<16xf32>
        %swap3A_1054 = vector.shape_cast %add3A_1049 : vector<16xf32> to vector<1x16xf32>
        tpu.vector_store %arg7[%swap3A_1050, %swap3A_1051], %swap3A_1054 {strides = array<i32>} : memref<640x64xf32, #tpu.memory_space<vmem>>, vector<1x16xf32>,
        %mul3A_1055 = arith.constant 16 : i32
        %mul3A_1056 = arith.muli %scan3A_216, %mul3A_1055 : i32
        %add3A_1057 = arith.constant 14 : i32
        %add3A_1058 = arith.addi %mul3A_1056, %add3A_1057 : i32
        %get3A_1059 = arith.index_cast %add3A_1058 : i32 to index
        %get3A_1060 = arith.constant 0 : index
        %get3A_1061 = tpu.vector_load %arg7[%get3A_1059, %get3A_1060] {strides = array<i32>} : memref<640x64xf32, #tpu.memory_space<vmem>>, vector<1x16xf32>,
        %get3A_1062 = vector.shape_cast %get3A_1061 : vector<1x16xf32> to vector<16xf32>
        %get3A_1063 = arith.index_cast %add3A_1058 : i32 to index
        %get3A_1064 = arith.constant 0 : index
        %get3A_1065 = tpu.vector_load %arg8[%get3A_1063, %get3A_1064] {strides = array<i32>} : memref<640x64xf32, #tpu.memory_space<vmem>>, vector<1x16xf32>,
        %get3A_1066 = vector.shape_cast %get3A_1065 : vector<1x16xf32> to vector<16xf32>
        %add3A_1067 = arith.addf %get3A_1062, %get3A_1066 : vector<16xf32>
        %swap3A_1068 = arith.index_cast %add3A_1058 : i32 to index
        %swap3A_1069 = arith.constant 0 : index
        %swap3A_1070 = tpu.vector_load %arg7[%swap3A_1068, %swap3A_1069] {strides = array<i32>} : memref<640x64xf32, #tpu.memory_space<vmem>>, vector<1x16xf32>,
        %swap3A_1071 = vector.shape_cast %swap3A_1070 : vector<1x16xf32> to vector<16xf32>
        %swap3A_1072 = vector.shape_cast %add3A_1067 : vector<16xf32> to vector<1x16xf32>
        tpu.vector_store %arg7[%swap3A_1068, %swap3A_1069], %swap3A_1072 {strides = array<i32>} : memref<640x64xf32, #tpu.memory_space<vmem>>, vector<1x16xf32>,
        %get3A_1073 = arith.index_cast %add3A_1058 : i32 to index
        %get3A_1074 = arith.constant 16 : index
        %get3A_1075 = tpu.vector_load %arg7[%get3A_1073, %get3A_1074] {strides = array<i32>} : memref<640x64xf32, #tpu.memory_space<vmem>>, vector<1x16xf32>,
        %get3A_1076 = vector.shape_cast %get3A_1075 : vector<1x16xf32> to vector<16xf32>
        %get3A_1077 = arith.index_cast %add3A_1058 : i32 to index
        %get3A_1078 = arith.constant 16 : index
        %get3A_1079 = tpu.vector_load %arg8[%get3A_1077, %get3A_1078] {strides = array<i32>} : memref<640x64xf32, #tpu.memory_space<vmem>>, vector<1x16xf32>,
        %get3A_1080 = vector.shape_cast %get3A_1079 : vector<1x16xf32> to vector<16xf32>
        %add3A_1081 = arith.addf %get3A_1076, %get3A_1080 : vector<16xf32>
        %swap3A_1082 = arith.index_cast %add3A_1058 : i32 to index
        %swap3A_1083 = arith.constant 16 : index
        %swap3A_1084 = tpu.vector_load %arg7[%swap3A_1082, %swap3A_1083] {strides = array<i32>} : memref<640x64xf32, #tpu.memory_space<vmem>>, vector<1x16xf32>,
        %swap3A_1085 = vector.shape_cast %swap3A_1084 : vector<1x16xf32> to vector<16xf32>
        %swap3A_1086 = vector.shape_cast %add3A_1081 : vector<16xf32> to vector<1x16xf32>
        tpu.vector_store %arg7[%swap3A_1082, %swap3A_1083], %swap3A_1086 {strides = array<i32>} : memref<640x64xf32, #tpu.memory_space<vmem>>, vector<1x16xf32>,
        %get3A_1087 = arith.index_cast %add3A_1058 : i32 to index
        %get3A_1088 = arith.constant 32 : index
        %get3A_1089 = tpu.vector_load %arg7[%get3A_1087, %get3A_1088] {strides = array<i32>} : memref<640x64xf32, #tpu.memory_space<vmem>>, vector<1x16xf32>,
        %get3A_1090 = vector.shape_cast %get3A_1089 : vector<1x16xf32> to vector<16xf32>
        %get3A_1091 = arith.index_cast %add3A_1058 : i32 to index
        %get3A_1092 = arith.constant 32 : index
        %get3A_1093 = tpu.vector_load %arg8[%get3A_1091, %get3A_1092] {strides = array<i32>} : memref<640x64xf32, #tpu.memory_space<vmem>>, vector<1x16xf32>,
        %get3A_1094 = vector.shape_cast %get3A_1093 : vector<1x16xf32> to vector<16xf32>
        %add3A_1095 = arith.addf %get3A_1090, %get3A_1094 : vector<16xf32>
        %swap3A_1096 = arith.index_cast %add3A_1058 : i32 to index
        %swap3A_1097 = arith.constant 32 : index
        %swap3A_1098 = tpu.vector_load %arg7[%swap3A_1096, %swap3A_1097] {strides = array<i32>} : memref<640x64xf32, #tpu.memory_space<vmem>>, vector<1x16xf32>,
        %swap3A_1099 = vector.shape_cast %swap3A_1098 : vector<1x16xf32> to vector<16xf32>
        %swap3A_1100 = vector.shape_cast %add3A_1095 : vector<16xf32> to vector<1x16xf32>
        tpu.vector_store %arg7[%swap3A_1096, %swap3A_1097], %swap3A_1100 {strides = array<i32>} : memref<640x64xf32, #tpu.memory_space<vmem>>, vector<1x16xf32>,
        %get3A_1101 = arith.index_cast %add3A_1058 : i32 to index
        %get3A_1102 = arith.constant 48 : index
        %get3A_1103 = tpu.vector_load %arg7[%get3A_1101, %get3A_1102] {strides = array<i32>} : memref<640x64xf32, #tpu.memory_space<vmem>>, vector<1x16xf32>,
        %get3A_1104 = vector.shape_cast %get3A_1103 : vector<1x16xf32> to vector<16xf32>
        %get3A_1105 = arith.index_cast %add3A_1058 : i32 to index
        %get3A_1106 = arith.constant 48 : index
        %get3A_1107 = tpu.vector_load %arg8[%get3A_1105, %get3A_1106] {strides = array<i32>} : memref<640x64xf32, #tpu.memory_space<vmem>>, vector<1x16xf32>,
        %get3A_1108 = vector.shape_cast %get3A_1107 : vector<1x16xf32> to vector<16xf32>
        %add3A_1109 = arith.addf %get3A_1104, %get3A_1108 : vector<16xf32>
        %swap3A_1110 = arith.index_cast %add3A_1058 : i32 to index
        %swap3A_1111 = arith.constant 48 : index
        %swap3A_1112 = tpu.vector_load %arg7[%swap3A_1110, %swap3A_1111] {strides = array<i32>} : memref<640x64xf32, #tpu.memory_space<vmem>>, vector<1x16xf32>,
        %swap3A_1113 = vector.shape_cast %swap3A_1112 : vector<1x16xf32> to vector<16xf32>
        %swap3A_1114 = vector.shape_cast %add3A_1109 : vector<16xf32> to vector<1x16xf32>
        tpu.vector_store %arg7[%swap3A_1110, %swap3A_1111], %swap3A_1114 {strides = array<i32>} : memref<640x64xf32, #tpu.memory_space<vmem>>, vector<1x16xf32>,
        %mul3A_1115 = arith.constant 16 : i32
        %mul3A_1116 = arith.muli %scan3A_216, %mul3A_1115 : i32
        %add3A_1117 = arith.constant 15 : i32
        %add3A_1118 = arith.addi %mul3A_1116, %add3A_1117 : i32
        %get3A_1119 = arith.index_cast %add3A_1118 : i32 to index
        %get3A_1120 = arith.constant 0 : index
        %get3A_1121 = tpu.vector_load %arg7[%get3A_1119, %get3A_1120] {strides = array<i32>} : memref<640x64xf32, #tpu.memory_space<vmem>>, vector<1x16xf32>,
        %get3A_1122 = vector.shape_cast %get3A_1121 : vector<1x16xf32> to vector<16xf32>
        %get3A_1123 = arith.index_cast %add3A_1118 : i32 to index
        %get3A_1124 = arith.constant 0 : index
        %get3A_1125 = tpu.vector_load %arg8[%get3A_1123, %get3A_1124] {strides = array<i32>} : memref<640x64xf32, #tpu.memory_space<vmem>>, vector<1x16xf32>,
        %get3A_1126 = vector.shape_cast %get3A_1125 : vector<1x16xf32> to vector<16xf32>
        %add3A_1127 = arith.addf %get3A_1122, %get3A_1126 : vector<16xf32>
        %swap3A_1128 = arith.index_cast %add3A_1118 : i32 to index
        %swap3A_1129 = arith.constant 0 : index
        %swap3A_1130 = tpu.vector_load %arg7[%swap3A_1128, %swap3A_1129] {strides = array<i32>} : memref<640x64xf32, #tpu.memory_space<vmem>>, vector<1x16xf32>,
        %swap3A_1131 = vector.shape_cast %swap3A_1130 : vector<1x16xf32> to vector<16xf32>
        %swap3A_1132 = vector.shape_cast %add3A_1127 : vector<16xf32> to vector<1x16xf32>
        tpu.vector_store %arg7[%swap3A_1128, %swap3A_1129], %swap3A_1132 {strides = array<i32>} : memref<640x64xf32, #tpu.memory_space<vmem>>, vector<1x16xf32>,
        %get3A_1133 = arith.index_cast %add3A_1118 : i32 to index
        %get3A_1134 = arith.constant 16 : index
        %get3A_1135 = tpu.vector_load %arg7[%get3A_1133, %get3A_1134] {strides = array<i32>} : memref<640x64xf32, #tpu.memory_space<vmem>>, vector<1x16xf32>,
        %get3A_1136 = vector.shape_cast %get3A_1135 : vector<1x16xf32> to vector<16xf32>
        %get3A_1137 = arith.index_cast %add3A_1118 : i32 to index
        %get3A_1138 = arith.constant 16 : index
        %get3A_1139 = tpu.vector_load %arg8[%get3A_1137, %get3A_1138] {strides = array<i32>} : memref<640x64xf32, #tpu.memory_space<vmem>>, vector<1x16xf32>,
        %get3A_1140 = vector.shape_cast %get3A_1139 : vector<1x16xf32> to vector<16xf32>
        %add3A_1141 = arith.addf %get3A_1136, %get3A_1140 : vector<16xf32>
        %swap3A_1142 = arith.index_cast %add3A_1118 : i32 to index
        %swap3A_1143 = arith.constant 16 : index
        %swap3A_1144 = tpu.vector_load %arg7[%swap3A_1142, %swap3A_1143] {strides = array<i32>} : memref<640x64xf32, #tpu.memory_space<vmem>>, vector<1x16xf32>,
        %swap3A_1145 = vector.shape_cast %swap3A_1144 : vector<1x16xf32> to vector<16xf32>
        %swap3A_1146 = vector.shape_cast %add3A_1141 : vector<16xf32> to vector<1x16xf32>
        tpu.vector_store %arg7[%swap3A_1142, %swap3A_1143], %swap3A_1146 {strides = array<i32>} : memref<640x64xf32, #tpu.memory_space<vmem>>, vector<1x16xf32>,
        %get3A_1147 = arith.index_cast %add3A_1118 : i32 to index
        %get3A_1148 = arith.constant 32 : index
        %get3A_1149 = tpu.vector_load %arg7[%get3A_1147, %get3A_1148] {strides = array<i32>} : memref<640x64xf32, #tpu.memory_space<vmem>>, vector<1x16xf32>,
        %get3A_1150 = vector.shape_cast %get3A_1149 : vector<1x16xf32> to vector<16xf32>
        %get3A_1151 = arith.index_cast %add3A_1118 : i32 to index
        %get3A_1152 = arith.constant 32 : index
        %get3A_1153 = tpu.vector_load %arg8[%get3A_1151, %get3A_1152] {strides = array<i32>} : memref<640x64xf32, #tpu.memory_space<vmem>>, vector<1x16xf32>,
        %get3A_1154 = vector.shape_cast %get3A_1153 : vector<1x16xf32> to vector<16xf32>
        %add3A_1155 = arith.addf %get3A_1150, %get3A_1154 : vector<16xf32>
        %swap3A_1156 = arith.index_cast %add3A_1118 : i32 to index
        %swap3A_1157 = arith.constant 32 : index
        %swap3A_1158 = tpu.vector_load %arg7[%swap3A_1156, %swap3A_1157] {strides = array<i32>} : memref<640x64xf32, #tpu.memory_space<vmem>>, vector<1x16xf32>,
        %swap3A_1159 = vector.shape_cast %swap3A_1158 : vector<1x16xf32> to vector<16xf32>
        %swap3A_1160 = vector.shape_cast %add3A_1155 : vector<16xf32> to vector<1x16xf32>
        tpu.vector_store %arg7[%swap3A_1156, %swap3A_1157], %swap3A_1160 {strides = array<i32>} : memref<640x64xf32, #tpu.memory_space<vmem>>, vector<1x16xf32>,
        %get3A_1161 = arith.index_cast %add3A_1118 : i32 to index
        %get3A_1162 = arith.constant 48 : index
        %get3A_1163 = tpu.vector_load %arg7[%get3A_1161, %get3A_1162] {strides = array<i32>} : memref<640x64xf32, #tpu.memory_space<vmem>>, vector<1x16xf32>,
        %get3A_1164 = vector.shape_cast %get3A_1163 : vector<1x16xf32> to vector<16xf32>
        %get3A_1165 = arith.index_cast %add3A_1118 : i32 to index
        %get3A_1166 = arith.constant 48 : index
        %get3A_1167 = tpu.vector_load %arg8[%get3A_1165, %get3A_1166] {strides = array<i32>} : memref<640x64xf32, #tpu.memory_space<vmem>>, vector<1x16xf32>,
        %get3A_1168 = vector.shape_cast %get3A_1167 : vector<1x16xf32> to vector<16xf32>
        %add3A_1169 = arith.addf %get3A_1164, %get3A_1168 : vector<16xf32>
        %swap3A_1170 = arith.index_cast %add3A_1118 : i32 to index
        %swap3A_1171 = arith.constant 48 : index
        %swap3A_1172 = tpu.vector_load %arg7[%swap3A_1170, %swap3A_1171] {strides = array<i32>} : memref<640x64xf32, #tpu.memory_space<vmem>>, vector<1x16xf32>,
        %swap3A_1173 = vector.shape_cast %swap3A_1172 : vector<1x16xf32> to vector<16xf32>
        %swap3A_1174 = vector.shape_cast %add3A_1169 : vector<16xf32> to vector<1x16xf32>
        tpu.vector_store %arg7[%swap3A_1170, %swap3A_1171], %swap3A_1174 {strides = array<i32>} : memref<640x64xf32, #tpu.memory_space<vmem>>, vector<1x16xf32>,
      }
      %scan3A_212 = arith.constant 40 : i32
      %mul3A_213 = arith.constant 640 : i32
      %mul3A_214 = arith.muli %scan3A_8, %mul3A_213 : i32
      %add3A_215 = arith.addi %mul3A_2, %mul3A_214 : i32
      "tpu.region"() ({
        %run_scoped3A = tpu.sem_alloc : memref<!tpu.dma_semaphore, #tpu.memory_space<semaphore_mem>>
        %dma_start3A_216 = arith.constant 0 : i32
        %dma_start3A_217 = tpu.memref_slice %arg5[%add3A_215, %dma_start3A_216] : memref<204800x64xf32, #tpu.memory_space<hbm>> -> memref<640x64xf32, #tpu.memory_space<hbm>>
        %dma_start3A_218 = arith.constant 0 : i32
        %dma_start3A_219 = tpu.memref_slice %arg5[%add3A_215, %dma_start3A_218] : memref<204800x64xf32, #tpu.memory_space<hbm>> -> memref<640x64xf32, #tpu.memory_space<hbm>>
        tpu.enqueue_dma source(%arg7 : memref<640x64xf32, #tpu.memory_space<vmem>>) target(%dma_start3A_219 : memref<640x64xf32, #tpu.memory_space<hbm>>) target_semaphore(%run_scoped3A : memref<!tpu.dma_semaphore, #tpu.memory_space<semaphore_mem>>)
        %dma_wait3A_220 = arith.constant 0 : i32
        %dma_wait3A_221 = tpu.memref_slice %arg5[%add3A_215, %dma_wait3A_220] : memref<204800x64xf32, #tpu.memory_space<hbm>> -> memref<640x64xf32, #tpu.memory_space<hbm>>
        %dma_wait3A_222 = arith.constant 0 : i32
        %dma_wait3A_223 = tpu.memref_slice %arg5[%add3A_215, %dma_wait3A_222] : memref<204800x64xf32, #tpu.memory_space<hbm>> -> memref<640x64xf32, #tpu.memory_space<hbm>>
        tpu.wait_dma2 semaphore(%run_scoped3A : memref<!tpu.dma_semaphore, #tpu.memory_space<semaphore_mem>>) src(%arg7 : memref<640x64xf32, #tpu.memory_space<vmem>>) dst(%dma_wait3A_223 : memref<640x64xf32, #tpu.memory_space<hbm>>)
        tpu.yield
      }) : () -> ()
    }
    %scan3A_7 = arith.constant 10 : i32
    return
  }
}

</mosaic_0001>

<sc_bundles>
// kernel: kernel.3.cloned.1.call-start
scs
__scs_entry_jumppad:
0x0: {  	(pc) =	sbr.rel $0x88, $3  }
0x1: {  	(tag) =	ssettag $0x0;
	lr =	simm.s32 $0x1  }
0x2: {  	[smem:$0x3F9E] =	sst lr;
	_ =	strace $0xD0000000  }
0x3: {  	_ = 	snop  }
0x4: {  	_ = 	snop  }
0x5: {  	_ = 	snop  }
0x6: {  	_ = 	snop  }
0x7: {  	_ = 	snop  }
__scs_overlays_trampoline_lowered:
0x8: {  	[smem:$0x3FAD] =	sst s0  }
0x9: {  	[smem:$0x3FAE] =	sst s1  }
0xa: {  	[smem:$0x3FAF] =	sst s2  }
0xb: {  	[smem:$0x3FB0] =	sst s3  }
0xc: {  	[smem:$0x3FB1] =	sst s4  }
0xd: {  	[smem:$0x3FB2] =	sst s5  }
0xe: {  	[smem:$0x3FB3] =	sst s6  }
0xf: {  	[smem:$0x3FB4] =	sst s7  }
0x10: {  	[smem:$0x3FB5] =	sst s8  }
0x11: {  	[smem:$0x3FB6] =	sst s9;
	s0 =	simm.s32 @!p0 $0x0  }
0x12: {  	s1 =	sld [smem:$0x3F9C];
	s0 =	simm.s32 @p0 $0x1  }
0x13: {  	[smem:$0x3FB7] =	sst s0;
	s0 =	simm.s32 @!p1 $0x0  }
0x14: {  	s2 =	sld [smem:$0x3F9B];
	s0 =	simm.s32 @p1 $0x1  }
0x15: {  	[smem:$0x3FB8] =	sst s0;
	s0 =	simm.s32 @!p2 $0x0  }
0x16: {  	s3 =	sld [smem:$0x3FDB];
	s0 =	simm.s32 @p2 $0x1  }
0x17: {  	s4 =	simm.s32 $0x1BF5;
	[smem:$0x3FBA] =	sst s0  }
0x18: {  	s0 =	sld [smem:$0x3F9D];
	_ =	swait.ge [sflag:s4], $0x0  }
0x19: {  	s7 =	sld [smem:$0x3F9E]  }
0x1a: {  	s8 =	sadd.s32 $0xFFFFE003, lr  }
0x1b: {  	s9 =	sadd.s32 $0xFFFFFEF7, lr;
	s5 =	simm.s32 $0xFFFFFFFF;
	p2 =	slt.u32 s8, $0xFFFFF086  }
0x1c: {  	p1 =	slt.u32 s9, $0xF7A;
	s5 =	simm.s32 @!p2 $0x0  }
0x1d: {  	s5 =	simm.s32 @p1 $0x1;
	p0 =	seq.s32 s7, s2  }
0x1e: {  	s7 =	smul.u32 @!p0 $0xF7A, s2;
	p2 =	seq.s32 @!p0 s5, $0x0  }
0x1f: {  	s9 =	smul.u32 $0xF7A, s1;
	s8 =	simm.s32 @!p0 $0x1BF5;
	p2 =	por !p2, p0  }
0x20: {  	[sflag:s8] =	ssyncset.s32 @!p0 $0xFFFFF086;
	s6 =	sadd.s32 @!p0 s3, s7;
	s7 =	simm.s32 @!p0 $0x108  }
0x21: {  	s3 =	sadd.s32 s3, s9;
	s6 =	sadd.s32 @!p0 $0x88, s6;
	s7 =	simm.s32 @p2 $0x1082  }
0x22: {  	[simem:s7], [sflag:s8] =	dma.local @!p0 [hbm:s6], $0xF7A  }
0x23: {  	s9 =	sor.u32 $0xD0000000, s2;
	s6 =	simm.s32 $0x108;
	_ =	swait.ge @!p0 [sflag:s8], $0x0  }
0x24: {  	s3 =	sadd.s32 $0x88, s3;
	s6 =	simm.s32 @!p1 $0x1082;
	[sflag:s4] =	ssyncset.s32 $0xFFFFF086  }
0x25: {  	[simem:s6], [sflag:s4] =	dma.local [hbm:s3], $0xF7A  }
0x26: {  	[smem:$0x3F9E] =	sst s1;
	(tag) =	ssettag s2;
	_ =	strace s9  }
0x27: {  	s1 =	sld [smem:$0x3FAE]  }
0x28: {  	s2 =	sld [smem:$0x3FAF]  }
0x29: {  	s4 =	sld [smem:$0x3FB1]  }
0x2a: {  	p0 =	seq.s32 s5, $0x0;
	s5 =	sld [smem:$0x3FB2]  }
0x2b: {  	s6 =	sld [smem:$0x3FB3]  }
0x2c: {  	s7 =	sld [smem:$0x3FB4]  }
0x2d: {  	s3 =	simm.s32 $0x108;
	s8 =	sld [smem:$0x3FB5]  }
0x2e: {  	s3 =	simm.s32 @!p0 $0x1082;
	s9 =	sld [smem:$0x3FB6]  }
0x2f: {  	lr =	sadd.s32 s0, s3;
	s0 =	sld [smem:$0x3FAD]  }
0x30: {  	s3 =	sld [smem:$0x3FB0]  }
0x31: {  	[smem:$0x3FB9] =	sst s10  }
0x32: {  	s10 =	sld [smem:$0x3FB7];
	_ =	sdelay $0x3  }
0x33: {  	p0 =	seq.s32 s10, $0x1;
	s10 =	sld [smem:$0x3FB9];
	_ =	sdelay $0x3  }
0x34: {  	[smem:$0x3FB9] =	sst s10  }
0x35: {  	s10 =	sld [smem:$0x3FB8];
	_ =	sdelay $0x3  }
0x36: {  	p1 =	seq.s32 s10, $0x1;
	s10 =	sld [smem:$0x3FB9];
	_ =	sdelay $0x3  }
0x37: {  	[smem:$0x3FB9] =	sst s10  }
0x38: {  	s10 =	sld [smem:$0x3FBA]  }
0x39: {  	_ = 	snop;
	(pc) =	sbr.ind lr, $3  }
0x3a: {  	_ = 	snop  }
0x3b: {  	_ = 	snop  }
0x3c: {  	p2 =	seq.s32 s10, $0x1;
	s10 =	sld [smem:$0x3FB9]  }
0x3d: {  	_ =	shalt  }
0x3e: {  	_ =	shalt  }
0x3f: {  	_ =	shalt  }
0x40: {  	_ =	shalt  }
0x41: {  	_ =	shalt  }
0x42: {  	_ =	shalt  }
0x43: {  	_ =	shalt  }
0x44: {  	_ =	shalt  }
0x45: {  	_ =	shalt  }
0x46: {  	_ =	shalt  }
0x47: {  	_ =	shalt  }
0x48: {  	_ =	shalt  }
0x49: {  	_ =	shalt  }
0x4a: {  	_ =	shalt  }
0x4b: {  	_ =	shalt  }
0x4c: {  	_ =	shalt  }
0x4d: {  	_ =	shalt  }
0x4e: {  	_ =	shalt  }
0x4f: {  	_ =	shalt  }
0x50: {  	_ =	shalt  }
0x51: {  	_ =	shalt  }
0x52: {  	_ =	shalt  }
0x53: {  	_ =	shalt  }
0x54: {  	_ =	shalt  }
0x55: {  	_ =	shalt  }
0x56: {  	_ =	shalt  }
0x57: {  	_ =	shalt  }
0x58: {  	_ =	shalt  }
0x59: {  	_ =	shalt  }
0x5a: {  	_ =	shalt  }
0x5b: {  	_ =	shalt  }
0x5c: {  	_ =	shalt  }
0x5d: {  	_ =	shalt  }
0x5e: {  	_ =	shalt  }
0x5f: {  	_ =	shalt  }
0x60: {  	_ =	shalt  }
0x61: {  	_ =	shalt  }
0x62: {  	_ =	shalt  }
0x63: {  	_ =	shalt  }
0x64: {  	_ =	shalt  }
0x65: {  	_ =	shalt  }
0x66: {  	_ =	shalt  }
0x67: {  	_ =	shalt  }
0x68: {  	_ =	shalt  }
0x69: {  	_ =	shalt  }
0x6a: {  	_ =	shalt  }
0x6b: {  	_ =	shalt  }
0x6c: {  	_ =	shalt  }
0x6d: {  	_ =	shalt  }
0x6e: {  	_ =	shalt  }
0x6f: {  	_ =	shalt  }
0x70: {  	_ =	shalt  }
0x71: {  	_ =	shalt  }
0x72: {  	_ =	shalt  }
0x73: {  	_ =	shalt  }
0x74: {  	_ =	shalt  }
0x75: {  	_ =	shalt  }
0x76: {  	_ =	shalt  }
0x77: {  	_ =	shalt  }
0x78: {  	_ =	shalt  }
0x79: {  	_ =	shalt  }
0x7a: {  	_ =	shalt  }
0x7b: {  	_ =	shalt  }
0x7c: {  	_ =	shalt  }
0x7d: {  	_ =	shalt  }
0x7e: {  	_ =	shalt  }
0x7f: {  	_ =	shalt  }
0x80: {  	_ =	shalt  }
0x81: {  	_ =	shalt  }
0x82: {  	_ =	shalt  }
0x83: {  	_ =	shalt  }
0x84: {  	_ =	shalt  }
0x85: {  	_ =	shalt  }
0x86: {  	_ =	shalt  }
0x87: {  	_ =	shalt  }
.Lfunc_end0:
.L_simem_size_0:
called_computation.1_lowered:
.L_overlay_start_0:
0x88: {  	s2 =	sld [smem:$0x3FD9]  }
0x89: {  	s3 =	sld [smem:$0x3FFE];
	_ =	sdelay $0x1  }
0x8a: {  	s1 =	srdreg.scid  }
0x8b: {  	s0 =	sand.u32 $0x1, s1  }
0x8c: {  	s17 =	sshll.u32 s0, $0xA;
	s2 =	sadd.s32 s3, s2  }
0x8d: {  	s2 =	sadd.s32 s2, s17  }
0x8e: {  	[smem:$0x3FC5] =	sst s2  }
0x8f: {  	_ = 	snop  }
0x90: {  	s2 =	sld [smem:$0x3FD0];
	(tm) =	ssettm $0x1  }
0x91: {  	s18 =	sld [smem:$0x3FFB];
	_ =	sdelay $0x3  }
0x92: {  	_ =	strace s18  }
0x93: {  	s3 =	sld [smem:$0x3FFC];
	_ =	sdelay $0x3  }
0x94: {  	_ =	strace s3  }
0x95: {  	s3 =	sld [smem:$0x3FFD];
	_ =	sdelay $0x3  }
0x96: {  	_ =	strace s3  }
0x97: {  	_ =	strace $0x8FFFFFFF  }
0x98: {  	s19 =	sld [smem:$0x3FDB];
	_ =	sdelay $0x1  }
0x99: {  	s4 =	simm.s32 $_scs_section_size  }
0x9a: {  	s5 =	simm.s32 $_size__tile_overlayer_lowered;
	s6 =	simm.s32 $_tile_overlayer_lowered  }
0x9b: {  	s22 =	simm.s32 $0x1BFF;
	s21 =	sshll.u32 s6, $0x1;
	s3 =	sadd.s32 s4, s19  }
0x9c: {  	s7 =	simm.s32 $0x0;
	s20 =	sshll.u32 s5, $0x1;
	s5 =	sadd.s32 s21, s3  }
0x9d: {  	[timem:s7], [sflag:s22] =	dma.local [hbm:s5], s20  }
0x9e: {  	_ =	swait.ge [sflag:s22], s20  }
0x9f: {  	s4 =	ssub.s32 $0x0, s20;
	[sflag:s22] =	ssyncset.done $0x0  }
0xa0: {  	[sflag:s22] =	ssyncadd.s32 s4;
	_ =	sdelay $0x1  }
0xa1: {  	s23 =	simm.s32 $0x1B8B  }
0xa2: {  	_ =	swait.ge [sflag:s23], $0x1  }
0xa3: {  	[sflag:s23] =	ssyncset.done $0x0  }
0xa4: {  	s25 =	simm.s32 $0x1B8E;
	s24 =	sld [smem:$0x3FFE];
	[sflag:s23] =	ssyncadd.s32 $0xFFFFFFFF  }
0xa5: {  	s26 =	simm.s32 $execute0_lowered;
	[smem:$0x3FD2] =	sst s25  }
0xa6: {  	s5 =	sshll.u32 s26, $0x1;
	_ =	strace $0x80000046;
	[dreg:$0x1] =	wrdreg $0xFFFFFFFF  }
0xa7: {  	s28 =	simm.s32 $_size_execute0_lowered;
	s3 =	sadd.s32 s3, s5;
	[dreg:$0x0] =	wrdreg $0x0  }
0xa8: {  	s5 =	sshll.u32 s28, $0x1;
	[dreg:$0x2] =	wrdreg s3  }
0xa9: {  	[dreg:$0x3] =	wrdreg s5  }
0xaa: {  	[dreg:$0x4] =	wrdreg $0xC0  }
0xab: {  	_ =	task [dreg:s7], $0x5FFFF  }
0xac: {  	[dreg:$0x1] =	wrdreg $0xFFFFFFFF  }
0xad: {  	[dreg:$0x0] =	wrdreg $0x60  }
0xae: {  	[dreg:$0x2] =	wrdreg s24  }
0xaf: {  	[dreg:$0x3] =	wrdreg s2  }
0xb0: {  	[dreg:$0x4] =	wrdreg $0x9  }
0xb1: {  	_ =	task.clear_ibuf [dreg:s7], $0x5FFFF;
	_ =	strace $0x90000046  }
0xb2: {  	s29 =	simm.s32 $0x9;
	_ =	strace $0x80000048  }
0xb3: {  	_ =	swait.ge [sflag:s29], $0x1  }
0xb4: {  	[sflag:s29] =	ssyncadd.s32 $0xFFFFFFFF  }
0xb5: {  	_ =	strace $0x90000048  }
0xb6: {  	_ =	sfence  }
0xb7: {  	s30 =	sld [smem:$0x0];
	_ =	sdelay $0x2  }
0xb8: {  	s31 =	sshll.u32 s1, $0xD;
	s1 =	sshrl.u32 s1, $0x2  }
0xb9: {  	s3 =	sand.u32 $0x4000, s31;
	s1 =	sadd.s32 s1, s30  }
0xba: {  	s0 =	sor.u32 s3, s0;
	s1 =	sshll.u32 s1, $0x11  }
0xbb: {  	s0 =	sor.u32 s1, s0  }
0xbc: {  	s0 =	sadd.s32 $0x8F2B, s0  }
0xbd: {  	[sflag:s0] =	ssyncadd.remote.s32 $0x1  }
0xbe: {  	_ =	sfence.sel $0xFFFF  }
0xbf: {  	[dreg:$0x0] =	wrdreg $0xFFFFFFFF;
	(pc) =	sbr.abs _section_cstart, $3  }
0xc0: {  	[dreg:$0x1] =	wrdreg $0xFFFFFFFF  }
0xc1: {  	_ =	task.clear_ibuf [dreg:s7], $0x2FFFF;
	_ =	strace $0x9FFFFFFF  }
0xc2: {  	(tm) =	ssettm $0x7FFFFFFF  }
0xc3: {  	_ =	shalt  }
tec
execute0_lowered:
.L_overlay_start_1:
0x0: {  	(tag) =	ssettag $0x1  }
0x1: {  	s1 =	srdreg.scid  }
0x2: {  	s0 =	stileid.u32;
	s6 =	rddreg [dreg:$0x0]  }
0x3: {  	s2 =	rddreg [dreg:$0x1];
	s3 =	simm.s32 $0x0;
	s10 =	simm.s32 $0x80  }
0x4: {  	s11 =	simm.s32 $0x1900;
	s12 =	simm.s32 $0xB900;
	s13 =	simm.s32 $0x3900  }
0x5: {  	s14 =	simm.s32 $0xD900;
	s15 =	simm.s32 $0x5900;
	s16 =	simm.s32 $0xF900  }
0x6: {  	s17 =	simm.s32 $0x7900;
	s18 =	simm.s32 $0x11900;
	s19 =	simm.s32 $0x9900  }
0x7: {  	s20 =	simm.s32 $0x13900;
	s5 =	sand.u32 $0x1, s1;
	s30 =	sshll.u32 s0, $0x1  }
0x8: {  	s21 =	simm.s32 $0x1;
	s22 =	simm.s32 $0x2;
	s4 =	sor.u32 s5, s30  }
0x9: {  	s1 =	rddreg [dreg:$0x2];
	s7 =	ssub.s32 $0x2, s5;
	s4 =	smul.u32 $0x1900, s4  }
0xa: {  	s23 =	simm.s32 $0x0;
	[smem:$0x7FF] =	sst s3;
	s8 =	sshrl.u32 s7, $0x1  }
0xb: {  	_ =	strace $0x80000047;
	s8 =	ssub.s32 s7, s8;
	s31 =	sshrl.u32 s4, $0x3  }
0xc: {  	s5 =	sadd.s32 $0x16E4000, s6;
	s8 =	smax.u32 s8, $0x1;
	s9 =	sadd.s32 s31, s6  }
0xd: {  	s6 =	sadd.s32 $0xF42E00, s6;
	s7 =	sadd.s32 $0xA00, s9;
	s9 =	simm.s32 $0x3  }
.LBB2_1:
0xe: {  	[tilespmem:s3], [sflag:$0x3] =	stream.linear.gather [hbm4b:s7+s3], $0x1900, $0x38;
	[tilespmem:$0x15900] =	vst v63  }
0xf: {  	_ =	swait.ge [sflag:s9], $0x1900  }
0x10: {  	[sflag:s9] =	ssyncset.done $0x0  }
0x11: {  	s24 =	simm.s32 $0x0;
	[sflag:s9] =	ssyncadd.s32 $0xFFFFE700  }
.LBB2_2:
0x12: {  	s25 =	smul.u32 $0xA00, s24;
	_ =	sdelay $0x1  }
0x13: {  	s25 =	sshra.s32 s25, $0x2  }
0x14: {  	[tilespmem:s11], [sflag:$0x1] =	stream.indirect.gather [hbm4b:s5+s10], $0x40, s25, s10, $0xb8;
	[tilespmem:$0x15900] =	vst v63  }
0x15: {  	_ = 	snop  }
0x16: {  	[tilespmem:s12], [sflag:$0x2] =	stream.indirect.gather [hbm4b:s6+s10], $0x40, s25, s10, $0xb8;
	[tilespmem:$0x15900] =	vst v63  }
0x17: {  	s26 =	sadd.s32 $0x80, s25  }
0x18: {  	[tilespmem:s13], [sflag:$0x1] =	stream.indirect.gather [hbm4b:s5+s10], $0x40, s26, s10, $0xb8;
	[tilespmem:$0x15900] =	vst v63  }
0x19: {  	_ = 	snop  }
0x1a: {  	[tilespmem:s14], [sflag:$0x2] =	stream.indirect.gather [hbm4b:s6+s10], $0x40, s26, s10, $0xb8;
	[tilespmem:$0x15900] =	vst v63  }
0x1b: {  	s30 =	sadd.s32 $0x100, s25  }
0x1c: {  	[tilespmem:s15], [sflag:$0x1] =	stream.indirect.gather [hbm4b:s5+s10], $0x40, s30, s10, $0xb8;
	[tilespmem:$0x15900] =	vst v63  }
0x1d: {  	_ = 	snop  }
0x1e: {  	[tilespmem:s16], [sflag:$0x2] =	stream.indirect.gather [hbm4b:s6+s10], $0x40, s30, s10, $0xb8;
	[tilespmem:$0x15900] =	vst v63  }
0x1f: {  	s31 =	sadd.s32 $0x180, s25  }
0x20: {  	[tilespmem:s17], [sflag:$0x1] =	stream.indirect.gather [hbm4b:s5+s10], $0x40, s31, s10, $0xb8;
	[tilespmem:$0x15900] =	vst v63  }
0x21: {  	_ = 	snop  }
0x22: {  	[tilespmem:s18], [sflag:$0x2] =	stream.indirect.gather [hbm4b:s6+s10], $0x40, s31, s10, $0xb8;
	[tilespmem:$0x15900] =	vst v63  }
0x23: {  	s25 =	sadd.s32 $0x200, s25  }
0x24: {  	[tilespmem:s19], [sflag:$0x1] =	stream.indirect.gather [hbm4b:s5+s10], $0x40, s25, s10, $0xb8;
	[tilespmem:$0x15900] =	vst v63  }
0x25: {  	_ = 	snop  }
0x26: {  	[tilespmem:s20], [sflag:$0x2] =	stream.indirect.gather [hbm4b:s6+s10], $0x40, s25, s10, $0xb8;
	[tilespmem:$0x15900] =	vst v63  }
0x27: {  	_ =	swait.ge [sflag:s21], $0x2000  }
0x28: {  	[sflag:s21] =	ssyncset.done $0x0  }
0x29: {  	[sflag:s21] =	ssyncadd.s32 $0xFFFFE000  }
0x2a: {  	_ =	swait.ge [sflag:s22], $0x2000  }
0x2b: {  	[sflag:s22] =	ssyncset.done $0x0  }
0x2c: {  	[sflag:s22] =	ssyncadd.s32 $0xFFFFE000  }
0x2d: {  	_ =	swait.ge [sflag:s21], $0x2000  }
0x2e: {  	[sflag:s21] =	ssyncset.done $0x0  }
0x2f: {  	[sflag:s21] =	ssyncadd.s32 $0xFFFFE000  }
0x30: {  	_ =	swait.ge [sflag:s22], $0x2000  }
0x31: {  	[sflag:s22] =	ssyncset.done $0x0  }
0x32: {  	[sflag:s22] =	ssyncadd.s32 $0xFFFFE000  }
0x33: {  	_ =	swait.ge [sflag:s21], $0x2000  }
0x34: {  	[sflag:s21] =	ssyncset.done $0x0  }
0x35: {  	[sflag:s21] =	ssyncadd.s32 $0xFFFFE000  }
0x36: {  	_ =	swait.ge [sflag:s22], $0x2000  }
0x37: {  	[sflag:s22] =	ssyncset.done $0x0  }
0x38: {  	[sflag:s22] =	ssyncadd.s32 $0xFFFFE000  }
0x39: {  	_ =	swait.ge [sflag:s21], $0x2000  }
0x3a: {  	[sflag:s21] =	ssyncset.done $0x0  }
0x3b: {  	[sflag:s21] =	ssyncadd.s32 $0xFFFFE000  }
0x3c: {  	_ =	swait.ge [sflag:s22], $0x2000  }
0x3d: {  	[sflag:s22] =	ssyncset.done $0x0  }
0x3e: {  	[sflag:s22] =	ssyncadd.s32 $0xFFFFE000  }
0x3f: {  	_ =	swait.ge [sflag:s21], $0x2000  }
0x40: {  	[sflag:s21] =	ssyncset.done $0x0  }
0x41: {  	[sflag:s21] =	ssyncadd.s32 $0xFFFFE000  }
0x42: {  	_ =	swait.ge [sflag:s22], $0x2000  }
0x43: {  	[sflag:s22] =	ssyncset.done $0x0  }
0x44: {  	s25 =	simm.s32 $0x0;
	[sflag:s22] =	ssyncadd.s32 $0xFFFFE000  }
0x45: {  	v34 =	vld [tilespmem:s25+$0xB900]  }
0x46: {  	v35 =	vld [tilespmem:s25+$0xB910]  }
0x47: {  	v36 =	vld [tilespmem:s25+$0xB920]  }
0x48: {  	v37 =	vld [tilespmem:s25+$0xB930]  }
0x49: {  	v38 =	vld [tilespmem:s25+$0xB940]  }
0x4a: {  	v39 =	vld [tilespmem:s25+$0xB950]  }
0x4b: {  	v40 =	vld [tilespmem:s25+$0xB960]  }
0x4c: {  	v41 =	vld [tilespmem:s25+$0xB970]  }
0x4d: {  	v42 =	vld [tilespmem:s25+$0xB980]  }
0x4e: {  	v43 =	vld [tilespmem:s25+$0xB990]  }
0x4f: {  	v44 =	vld [tilespmem:s25+$0xB9A0]  }
0x50: {  	v45 =	vld [tilespmem:s25+$0xB9B0]  }
0x51: {  	v46 =	vld [tilespmem:s25+$0xB9C0]  }
0x52: {  	v47 =	vld [tilespmem:s25+$0xB9D0]  }
0x53: {  	v48 =	vld [tilespmem:s25+$0xB9E0]  }
0x54: {  	v49 =	vld [tilespmem:s25+$0xB9F0]  }
0x55: {  	v50 =	vld [tilespmem:s25+$0xBA00]  }
0x56: {  	v51 =	vld [tilespmem:s25+$0xBA10]  }
0x57: {  	v52 =	vld [tilespmem:s25+$0xBA20]  }
0x58: {  	v53 =	vld [tilespmem:s25+$0xBA30]  }
0x59: {  	v54 =	vld [tilespmem:s25+$0xBA40]  }
0x5a: {  	v55 =	vld [tilespmem:s25+$0xBA50]  }
0x5b: {  	v56 =	vld [tilespmem:s25+$0xBA60]  }
0x5c: {  	v57 =	vld [tilespmem:s25+$0xBA70]  }
0x5d: {  	v58 =	vld [tilespmem:s25+$0xBA80]  }
0x5e: {  	v59 =	vld [tilespmem:s25+$0xBA90]  }
0x5f: {  	v60 =	vld [tilespmem:s25+$0xBAA0]  }
0x60: {  	v61 =	vld [tilespmem:s25+$0xBAB0]  }
0x61: {  	v62 =	vld [tilespmem:s25+$0xBAC0]  }
0x62: {  	v63 =	vld [tilespmem:s25+$0xBAD0]  }
0x63: {  	v33 =	vld [tilespmem:s25+$0xBAE0]  }
0x64: {  	v32 =	vld [tilespmem:s25+$0xBAF0]  }
0x65: {  	v31 =	vld [tilespmem:s25+$0xBB00]  }
0x66: {  	v30 =	vld [tilespmem:s25+$0xBB10]  }
0x67: {  	v29 =	vld [tilespmem:s25+$0xBB20]  }
0x68: {  	v28 =	vld [tilespmem:s25+$0xBB30]  }
0x69: {  	v27 =	vld [tilespmem:s25+$0xBB40]  }
0x6a: {  	v26 =	vld [tilespmem:s25+$0xBB50]  }
0x6b: {  	v25 =	vld [tilespmem:s25+$0xBB60]  }
0x6c: {  	v24 =	vld [tilespmem:s25+$0xBB70]  }
0x6d: {  	v23 =	vld [tilespmem:s25+$0xBB80]  }
0x6e: {  	v22 =	vld [tilespmem:s25+$0xBB90]  }
0x6f: {  	v21 =	vld [tilespmem:s25+$0xBBA0]  }
0x70: {  	v20 =	vld [tilespmem:s25+$0xBBB0]  }
0x71: {  	v19 =	vld [tilespmem:s25+$0xBBC0]  }
0x72: {  	v18 =	vld [tilespmem:s25+$0xBBD0]  }
0x73: {  	v7 =	vld [tilespmem:s25+$0x1910]  }
0x74: {  	v16 =	vld [tilespmem:s25+$0xBBE0]  }
0x75: {  	v15 =	vld [tilespmem:s25+$0xBBF0]  }
0x76: {  	v14 =	vld [tilespmem:s25+$0xBC00]  }
0x77: {  	v9 =	vld [tilespmem:s25+$0x1930]  }
0x78: {  	v13 =	vld [tilespmem:s25+$0xBC10];
	v7 =	vadd.f32 v35, v7  }
0x79: {  	v0 =	vld [tilespmem:s25+$0xBC20]  }
0x7a: {  	[tilespmem:s25+$0x1910] =	vst v7;
	v7 =	vld [tilespmem:s25+$0x1980]  }
0x7b: {  	v8 =	vld [tilespmem:s25+$0x1920]  }
0x7c: {  	v10 =	vld [tilespmem:s25+$0x1940];
	v9 =	vadd.f32 v37, v9  }
0x7d: {  	v12 =	vld [tilespmem:s25+$0xBC30]  }
0x7e: {  	[tilespmem:s25+$0x1930] =	vst v9;
	v9 =	vld [tilespmem:s25+$0x19A0]  }
0x7f: {  	v6 =	vld [tilespmem:s25+$0x1900];
	v7 =	vadd.f32 v42, v7  }
0x80: {  	v11 =	vld [tilespmem:s25+$0x1960];
	v8 =	vadd.f32 v36, v8  }
0x81: {  	v10 =	vadd.f32 v38, v10;
	[tilespmem:s25+$0x1980] =	vst v7;
	v7 =	vld [tilespmem:s25+$0x19F0]  }
0x82: {  	[tilespmem:s25+$0x1920] =	vst v8;
	v8 =	vld [tilespmem:s25+$0x1990]  }
0x83: {  	[tilespmem:s25+$0x1940] =	vst v10;
	v10 =	vld [tilespmem:s25+$0x19B0];
	v9 =	vadd.f32 v44, v9  }
0x84: {  	v1 =	vld [tilespmem:s25+$0xBC40];
	v6 =	vadd.f32 v34, v6  }
0x85: {  	v11 =	vadd.f32 v40, v11;
	[tilespmem:s25+$0x19A0] =	vst v9;
	v9 =	vld [tilespmem:s25+$0x1A10]  }
0x86: {  	[tilespmem:s25+$0x1900] =	vst v6;
	v6 =	vld [tilespmem:s25+$0x1970];
	v7 =	vadd.f32 v49, v7  }
0x87: {  	[tilespmem:s25+$0x1960] =	vst v11;
	v11 =	vld [tilespmem:s25+$0x19D0];
	v8 =	vadd.f32 v43, v8  }
0x88: {  	v10 =	vadd.f32 v45, v10;
	[tilespmem:s25+$0x19F0] =	vst v7;
	v7 =	vld [tilespmem:s25+$0x1A60]  }
0x89: {  	[tilespmem:s25+$0x1990] =	vst v8;
	v8 =	vld [tilespmem:s25+$0x1A00]  }
0x8a: {  	[tilespmem:s25+$0x19B0] =	vst v10;
	v10 =	vld [tilespmem:s25+$0x1A20];
	v9 =	vadd.f32 v51, v9  }
0x8b: {  	v5 =	vld [tilespmem:s25+$0xBCA0];
	v6 =	vadd.f32 v41, v6  }
0x8c: {  	v11 =	vadd.f32 v47, v11;
	[tilespmem:s25+$0x1A10] =	vst v9;
	v9 =	vld [tilespmem:s25+$0x1A80]  }
0x8d: {  	[tilespmem:s25+$0x1970] =	vst v6;
	v6 =	vld [tilespmem:s25+$0x19E0];
	v7 =	vadd.f32 v56, v7  }
0x8e: {  	[tilespmem:s25+$0x19D0] =	vst v11;
	v11 =	vld [tilespmem:s25+$0x1A40];
	v8 =	vadd.f32 v50, v8  }
0x8f: {  	v10 =	vadd.f32 v52, v10;
	[tilespmem:s25+$0x1A60] =	vst v7;
	v7 =	vld [tilespmem:s25+$0x1AD0]  }
0x90: {  	[tilespmem:s25+$0x1A00] =	vst v8;
	v8 =	vld [tilespmem:s25+$0x1A70]  }
0x91: {  	[tilespmem:s25+$0x1A20] =	vst v10;
	v10 =	vld [tilespmem:s25+$0x1A90];
	v9 =	vadd.f32 v58, v9  }
0x92: {  	v4 =	vld [tilespmem:s25+$0xBCB0];
	v6 =	vadd.f32 v48, v6  }
0x93: {  	v11 =	vadd.f32 v54, v11;
	[tilespmem:s25+$0x1A80] =	vst v9;
	v9 =	vld [tilespmem:s25+$0x1AF0]  }
0x94: {  	[tilespmem:s25+$0x19E0] =	vst v6;
	v6 =	vld [tilespmem:s25+$0x1A50];
	v7 =	vadd.f32 v63, v7  }
0x95: {  	[tilespmem:s25+$0x1A40] =	vst v11;
	v11 =	vld [tilespmem:s25+$0x1AB0];
	v8 =	vadd.f32 v57, v8  }
0x96: {  	v10 =	vadd.f32 v59, v10;
	[tilespmem:s25+$0x1AD0] =	vst v7;
	v7 =	vld [tilespmem:s25+$0x1B40]  }
0x97: {  	[tilespmem:s25+$0x1A70] =	vst v8;
	v8 =	vld [tilespmem:s25+$0x1AE0]  }
0x98: {  	[tilespmem:s25+$0x1A90] =	vst v10;
	v10 =	vld [tilespmem:s25+$0x1B00];
	v9 =	vadd.f32 v32, v9  }
0x99: {  	v3 =	vld [tilespmem:s25+$0xBCC0];
	v6 =	vadd.f32 v55, v6  }
0x9a: {  	v11 =	vadd.f32 v61, v11;
	[tilespmem:s25+$0x1AF0] =	vst v9;
	v9 =	vld [tilespmem:s25+$0x1B60]  }
0x9b: {  	[tilespmem:s25+$0x1A50] =	vst v6;
	v6 =	vld [tilespmem:s25+$0x1AC0];
	v7 =	vadd.f32 v27, v7  }
0x9c: {  	[tilespmem:s25+$0x1AB0] =	vst v11;
	v11 =	vld [tilespmem:s25+$0x1B20];
	v8 =	vadd.f32 v33, v8  }
0x9d: {  	v10 =	vadd.f32 v31, v10;
	[tilespmem:s25+$0x1B40] =	vst v7;
	v7 =	vld [tilespmem:s25+$0x1BB0]  }
0x9e: {  	[tilespmem:s25+$0x1AE0] =	vst v8;
	v8 =	vld [tilespmem:s25+$0x1B50]  }
0x9f: {  	[tilespmem:s25+$0x1B00] =	vst v10;
	v10 =	vld [tilespmem:s25+$0x1B70];
	v9 =	vadd.f32 v25, v9  }
0xa0: {  	[tilespmem:$0x1FFA0] =	vst v1;
	v1 =	vld [tilespmem:s25+$0xBC50];
	v6 =	vadd.f32 v62, v6  }
0xa1: {  	v11 =	vadd.f32 v29, v11;
	[tilespmem:s25+$0x1B60] =	vst v9;
	v9 =	vld [tilespmem:s25+$0x1BD0]  }
0xa2: {  	[tilespmem:s25+$0x1AC0] =	vst v6;
	v6 =	vld [tilespmem:s25+$0x1B30];
	v7 =	vadd.f32 v20, v7  }
0xa3: {  	[tilespmem:s25+$0x1B20] =	vst v11;
	v11 =	vld [tilespmem:s25+$0x1B90];
	v8 =	vadd.f32 v26, v8  }
0xa4: {  	v10 =	vadd.f32 v24, v10;
	[tilespmem:s25+$0x1BB0] =	vst v7;
	v7 =	vld [tilespmem:s25+$0x1C20]  }
0xa5: {  	[tilespmem:s25+$0x1B50] =	vst v8;
	v8 =	vld [tilespmem:s25+$0x1BC0]  }
0xa6: {  	[tilespmem:s25+$0x1B70] =	vst v10;
	v10 =	vld [tilespmem:s25+$0x1BE0];
	v9 =	vadd.f32 v18, v9  }
0xa7: {  	[tilespmem:$0x1FFB0] =	vst v1;
	v1 =	vld [tilespmem:s25+$0xBC60]  }
0xa8: {  	v6 =	vadd.f32 v28, v6;
	[tilespmem:s25+$0x1BD0] =	vst v9;
	v9 =	vld [tilespmem:s25+$0x1C40]  }
0xa9: {  	v11 =	vadd.f32 v22, v11;
	v7 =	vadd.f32 v0, v7;
	v0 =	vld [tilespmem:$0x1FFA0]  }
0xaa: {  	[tilespmem:s25+$0x1B30] =	vst v6;
	v6 =	vld [tilespmem:s25+$0x1BA0];
	v8 =	vadd.f32 v19, v8  }
0xab: {  	[tilespmem:s25+$0x1B90] =	vst v11;
	v11 =	vld [tilespmem:s25+$0x1C00];
	v10 =	vadd.f32 v16, v10  }
0xac: {  	[tilespmem:s25+$0x1BC0] =	vst v8;
	v8 =	vld [tilespmem:s25+$0x1C30]  }
0xad: {  	[tilespmem:s25+$0x1BE0] =	vst v10;
	v10 =	vld [tilespmem:s25+$0x1C50]  }
0xae: {  	v9 =	vadd.f32 v0, v9;
	v0 =	vld [tilespmem:$0x1FFB0]  }
0xaf: {  	v34 =	vld [tilespmem:s25+$0x1950]  }
0xb0: {  	[tilespmem:$0x1FFC0] =	vst v1;
	v1 =	vld [tilespmem:s25+$0xBC70];
	v6 =	vadd.f32 v21, v6  }
0xb1: {  	v11 =	vadd.f32 v14, v11;
	v14 =	vld [tilespmem:s25+$0x1C60];
	v8 =	vadd.f32 v12, v8  }
0xb2: {  	[tilespmem:s25+$0x1BA0] =	vst v6;
	v6 =	vld [tilespmem:s25+$0x1C10]  }
0xb3: {  	[tilespmem:s25+$0x1C30] =	vst v8;
	v8 =	vadd.f32 v0, v10;
	v0 =	vld [tilespmem:$0x1FFC0]  }
0xb4: {  	v40 =	vld [tilespmem:s25+$0x19C0]  }
0xb5: {  	v47 =	vld [tilespmem:s25+$0x1A30]  }
0xb6: {  	[tilespmem:$0x1FFD0] =	vst v1;
	v1 =	vld [tilespmem:s25+$0xBC80]  }
0xb7: {  	v34 =	vadd.f32 v39, v34;
	v6 =	vadd.f32 v13, v6;
	v13 =	vld [tilespmem:s25+$0x1C70]  }
0xb8: {  	v12 =	vadd.f32 v0, v14;
	v0 =	vld [tilespmem:$0x1FFD0]  }
0xb9: {  	[tilespmem:s25+$0x1950] =	vst v34;
	v34 =	vadd.f32 v46, v40;
	v54 =	vld [tilespmem:s25+$0x1AA0]  }
0xba: {  	v2 =	vld [tilespmem:s25+$0xBCD0]  }
0xbb: {  	[tilespmem:s25+$0x19C0] =	vst v34;
	v34 =	vadd.f32 v53, v47;
	v61 =	vld [tilespmem:s25+$0x1B10]  }
0xbc: {  	[tilespmem:$0x1FFE0] =	vst v1;
	v1 =	vld [tilespmem:s25+$0xBC90]  }
0xbd: {  	v17 =	vld [tilespmem:s25+$0xBCF0];
	[tilespmem:s25+$0x1A30] =	vst v34;
	v0 =	vadd.f32 v0, v13  }
0xbe: {  	v34 =	vadd.f32 v60, v54;
	[tilespmem:s25+$0x1C10] =	vst v6;
	v6 =	vld [tilespmem:s25+$0x1C80]  }
0xbf: {  	[tilespmem:s25+$0x1C70] =	vst v0;
	v0 =	vld [tilespmem:$0x1FFE0]  }
0xc0: {  	[tilespmem:s25+$0x1AA0] =	vst v34;
	v30 =	vadd.f32 v30, v61;
	v62 =	vld [tilespmem:s25+$0x1B80]  }
0xc1: {  	[tilespmem:$0x1FFF0] =	vst v1;
	v1 =	vld [tilespmem:s25+$0xBCE0]  }
0xc2: {  	[tilespmem:s25+$0x1B10] =	vst v30;
	v63 =	vld [tilespmem:s25+$0x1BF0]  }
0xc3: {  	[tilespmem:s25+$0x1C20] =	vst v7;
	v7 =	vld [tilespmem:s25+$0x1C90]  }
0xc4: {  	[tilespmem:s25+$0x1C60] =	vst v12;
	v12 =	vadd.f32 v0, v6;
	v0 =	vld [tilespmem:$0x1FFF0]  }
0xc5: {  	v23 =	vadd.f32 v23, v62;
	[tilespmem:s25+$0x1C00] =	vst v11;
	v11 =	vld [tilespmem:s25+$0x1CA0]  }
0xc6: {  	[tilespmem:s25+$0x1C40] =	vst v9;
	v9 =	vld [tilespmem:s25+$0x1CC0]  }
0xc7: {  	v15 =	vadd.f32 v15, v63;
	[tilespmem:s25+$0x1B80] =	vst v23;
	v10 =	vld [tilespmem:s25+$0x1CB0]  }
0xc8: {  	[tilespmem:s25+$0x1C50] =	vst v8;
	v8 =	vld [tilespmem:s25+$0x1CD0]  }
0xc9: {  	s26 =	simm.s32 $0x1000;
	[tilespmem:s25+$0x1BF0] =	vst v15;
	v6 =	vld [tilespmem:s25+$0x1CE0];
	v7 =	vadd.f32 v0, v7  }
.LBB2_3:
0xca: {  	_ = 	snop  }
0xcb: {  	s28 =	sshra.s32 s26, $0x2;
	[tilespmem:s25+$0x1C80] =	vst v12;
	v5 =	vadd.f32 v5, v11;
	v11 =	vld [tilespmem:s25+$0x1CF0]  }
0xcc: {  	v56 =	vld [tilespmem:s28+$0xB900];
	[tilespmem:s25+$0x1C90] =	vst v7;
	v4 =	vadd.f32 v4, v10  }
0xcd: {  	v59 =	vld [tilespmem:s28+$0xB910];
	v3 =	vadd.f32 v3, v9;
	[tilespmem:s25+$0x1CA0] =	vst v5  }
0xce: {  	v2 =	vadd.f32 v2, v8;
	v60 =	vld [tilespmem:s28+$0xB920];
	[tilespmem:s25+$0x1CB0] =	vst v4  }
0xcf: {  	v1 =	vadd.f32 v1, v6;
	v61 =	vld [tilespmem:s28+$0xB930];
	[tilespmem:s25+$0x1CC0] =	vst v3  }
0xd0: {  	v62 =	vld [tilespmem:s28+$0xB940];
	[tilespmem:s25+$0x1CD0] =	vst v2;
	v0 =	vadd.f32 v17, v11  }
0xd1: {  	v63 =	vld [tilespmem:s28+$0xB950];
	[tilespmem:s25+$0x1CE0] =	vst v1  }
0xd2: {  	v57 =	vld [tilespmem:s28+$0xB960];
	[tilespmem:s25+$0x1CF0] =	vst v0;
	s25 =	smov.u32 s28  }
0xd3: {  	v58 =	vld [tilespmem:s25+$0xB970]  }
0xd4: {  	v55 =	vld [tilespmem:s25+$0xB980]  }
0xd5: {  	v54 =	vld [tilespmem:s25+$0xB990]  }
0xd6: {  	v53 =	vld [tilespmem:s25+$0xB9A0]  }
0xd7: {  	v52 =	vld [tilespmem:s25+$0xB9B0]  }
0xd8: {  	v51 =	vld [tilespmem:s25+$0xB9C0]  }
0xd9: {  	v50 =	vld [tilespmem:s25+$0xB9D0]  }
0xda: {  	v49 =	vld [tilespmem:s25+$0xB9E0]  }
0xdb: {  	v48 =	vld [tilespmem:s25+$0xB9F0]  }
0xdc: {  	v47 =	vld [tilespmem:s25+$0xBA00]  }
0xdd: {  	v46 =	vld [tilespmem:s25+$0xBA10]  }
0xde: {  	v45 =	vld [tilespmem:s25+$0xBA20]  }
0xdf: {  	v44 =	vld [tilespmem:s25+$0xBA30]  }
0xe0: {  	v43 =	vld [tilespmem:s25+$0xBA40]  }
0xe1: {  	v42 =	vld [tilespmem:s25+$0xBA50]  }
0xe2: {  	v41 =	vld [tilespmem:s25+$0xBA60]  }
0xe3: {  	v40 =	vld [tilespmem:s25+$0xBA70]  }
0xe4: {  	v39 =	vld [tilespmem:s25+$0xBA80]  }
0xe5: {  	v38 =	vld [tilespmem:s25+$0xBA90]  }
0xe6: {  	v37 =	vld [tilespmem:s25+$0xBAA0]  }
0xe7: {  	v36 =	vld [tilespmem:s25+$0xBAB0]  }
0xe8: {  	v35 =	vld [tilespmem:s25+$0xBAC0]  }
0xe9: {  	v34 =	vld [tilespmem:s25+$0xBAD0]  }
0xea: {  	v0 =	vld [tilespmem:s25+$0xBC50]  }
0xeb: {  	v33 =	vld [tilespmem:s25+$0xBAE0]  }
0xec: {  	v32 =	vld [tilespmem:s25+$0xBAF0]  }
0xed: {  	v31 =	vld [tilespmem:s25+$0xBB00]  }
0xee: {  	v30 =	vld [tilespmem:s25+$0xBB10]  }
0xef: {  	[tilespmem:$0x1FF50] =	vst v0;
	v0 =	vld [tilespmem:s25+$0xBC60]  }
0xf0: {  	v29 =	vld [tilespmem:s25+$0xBB20]  }
0xf1: {  	v28 =	vld [tilespmem:s25+$0xBB30]  }
0xf2: {  	v27 =	vld [tilespmem:s25+$0xBB40]  }
0xf3: {  	v26 =	vld [tilespmem:s25+$0xBB50]  }
0xf4: {  	[tilespmem:$0x1FF60] =	vst v0;
	v0 =	vld [tilespmem:s25+$0xBC70]  }
0xf5: {  	v25 =	vld [tilespmem:s25+$0xBB60]  }
0xf6: {  	v24 =	vld [tilespmem:s25+$0xBB70]  }
0xf7: {  	v23 =	vld [tilespmem:s25+$0xBB80]  }
0xf8: {  	v22 =	vld [tilespmem:s25+$0xBB90]  }
0xf9: {  	[tilespmem:$0x1FF70] =	vst v0;
	v0 =	vld [tilespmem:s25+$0xBC80]  }
0xfa: {  	v21 =	vld [tilespmem:s25+$0xBBA0]  }
0xfb: {  	v20 =	vld [tilespmem:s25+$0xBBB0]  }
0xfc: {  	v19 =	vld [tilespmem:s25+$0xBBC0]  }
0xfd: {  	v18 =	vld [tilespmem:s25+$0xBBD0]  }
0xfe: {  	[tilespmem:$0x1FF80] =	vst v0;
	v0 =	vld [tilespmem:s25+$0xBC90]  }
0xff: {  	v6 =	vld [tilespmem:s25+$0xBBE0]  }
0x100: {  	v7 =	vld [tilespmem:s25+$0xBBF0]  }
0x101: {  	v8 =	vld [tilespmem:s25+$0xBC00]  }
0x102: {  	v9 =	vld [tilespmem:s25+$0xBC10]  }
0x103: {  	[tilespmem:$0x1FF90] =	vst v0;
	v0 =	vld [tilespmem:s25+$0x1900]  }
0x104: {  	v13 =	vld [tilespmem:s25+$0x1910]  }
0x105: {  	v14 =	vld [tilespmem:s25+$0x1920]  }
0x106: {  	v15 =	vld [tilespmem:s25+$0x1930]  }
0x107: {  	v16 =	vld [tilespmem:s25+$0x1940]  }
0x108: {  	v0 =	vadd.f32 v56, v0;
	v56 =	vld [tilespmem:s25+$0x1950]  }
0x109: {  	v13 =	vadd.f32 v59, v13;
	v59 =	vld [tilespmem:s25+$0x1960]  }
0x10a: {  	[tilespmem:s25+$0x1900] =	vst v0;
	v0 =	vadd.f32 v60, v14;
	v14 =	vld [tilespmem:s25+$0x1970]  }
0x10b: {  	[tilespmem:s25+$0x1910] =	vst v13;
	v13 =	vadd.f32 v61, v15;
	v15 =	vld [tilespmem:s25+$0x1980]  }
0x10c: {  	[tilespmem:s25+$0x1920] =	vst v0;
	v0 =	vadd.f32 v62, v16;
	v16 =	vld [tilespmem:s25+$0x1990]  }
0x10d: {  	[tilespmem:s25+$0x1930] =	vst v13;
	v13 =	vadd.f32 v63, v56;
	v63 =	vld [tilespmem:s25+$0x19A0]  }
0x10e: {  	v60 =	vld [tilespmem:s25+$0x19B0];
	[tilespmem:s25+$0x1940] =	vst v0;
	v0 =	vadd.f32 v57, v59  }
0x10f: {  	[tilespmem:s25+$0x1950] =	vst v13;
	v13 =	vadd.f32 v58, v14;
	v14 =	vld [tilespmem:s25+$0x19C0]  }
0x110: {  	[tilespmem:s25+$0x1960] =	vst v0;
	v0 =	vadd.f32 v55, v15;
	v15 =	vld [tilespmem:s25+$0x19D0]  }
0x111: {  	[tilespmem:s25+$0x1970] =	vst v13;
	v13 =	vadd.f32 v54, v16;
	v16 =	vld [tilespmem:s25+$0x19E0]  }
0x112: {  	v61 =	vld [tilespmem:s25+$0x19F0];
	[tilespmem:s25+$0x1980] =	vst v0;
	v0 =	vadd.f32 v53, v63  }
0x113: {  	v62 =	vld [tilespmem:s25+$0x1A00];
	[tilespmem:s25+$0x1990] =	vst v13;
	v13 =	vadd.f32 v52, v60  }
0x114: {  	[tilespmem:s25+$0x19A0] =	vst v0;
	v0 =	vadd.f32 v51, v14;
	v14 =	vld [tilespmem:s25+$0x1A10]  }
0x115: {  	[tilespmem:s25+$0x19B0] =	vst v13;
	v13 =	vadd.f32 v50, v15;
	v15 =	vld [tilespmem:s25+$0x1A20]  }
0x116: {  	[tilespmem:s25+$0x19C0] =	vst v0;
	v0 =	vadd.f32 v49, v16;
	v16 =	vld [tilespmem:s25+$0x1A30]  }
0x117: {  	v63 =	vld [tilespmem:s25+$0x1A40];
	[tilespmem:s25+$0x19D0] =	vst v13;
	v13 =	vadd.f32 v48, v61  }
0x118: {  	v53 =	vld [tilespmem:s25+$0x1A50];
	[tilespmem:s25+$0x19E0] =	vst v0;
	v0 =	vadd.f32 v47, v62  }
0x119: {  	[tilespmem:s25+$0x19F0] =	vst v13;
	v13 =	vadd.f32 v46, v14;
	v14 =	vld [tilespmem:s25+$0x1A60]  }
0x11a: {  	[tilespmem:s25+$0x1A00] =	vst v0;
	v0 =	vadd.f32 v45, v15;
	v15 =	vld [tilespmem:s25+$0x1A70]  }
0x11b: {  	[tilespmem:s25+$0x1A10] =	vst v13;
	v13 =	vadd.f32 v44, v16;
	v16 =	vld [tilespmem:s25+$0x1A80]  }
0x11c: {  	v54 =	vld [tilespmem:s25+$0x1A90];
	[tilespmem:s25+$0x1A20] =	vst v0;
	v0 =	vadd.f32 v43, v63  }
0x11d: {  	v55 =	vld [tilespmem:s25+$0x1AA0];
	[tilespmem:s25+$0x1A30] =	vst v13;
	v13 =	vadd.f32 v42, v53  }
0x11e: {  	[tilespmem:s25+$0x1A40] =	vst v0;
	v0 =	vadd.f32 v41, v14;
	v14 =	vld [tilespmem:s25+$0x1AB0]  }
0x11f: {  	[tilespmem:s25+$0x1A50] =	vst v13;
	v13 =	vadd.f32 v40, v15;
	v15 =	vld [tilespmem:s25+$0x1AC0]  }
0x120: {  	[tilespmem:s25+$0x1A60] =	vst v0;
	v0 =	vadd.f32 v39, v16;
	v16 =	vld [tilespmem:s25+$0x1AD0]  }
0x121: {  	v56 =	vld [tilespmem:s25+$0x1AE0];
	[tilespmem:s25+$0x1A70] =	vst v13;
	v13 =	vadd.f32 v38, v54  }
0x122: {  	v57 =	vld [tilespmem:s25+$0x1AF0];
	[tilespmem:s25+$0x1A80] =	vst v0;
	v0 =	vadd.f32 v37, v55  }
0x123: {  	[tilespmem:s25+$0x1A90] =	vst v13;
	v13 =	vadd.f32 v36, v14;
	v14 =	vld [tilespmem:s25+$0x1B00]  }
0x124: {  	[tilespmem:s25+$0x1AA0] =	vst v0;
	v0 =	vadd.f32 v35, v15;
	v15 =	vld [tilespmem:s25+$0x1B10]  }
0x125: {  	[tilespmem:s25+$0x1AB0] =	vst v13;
	v13 =	vadd.f32 v34, v16;
	v16 =	vld [tilespmem:s25+$0x1B20]  }
0x126: {  	v58 =	vld [tilespmem:s25+$0x1B30];
	[tilespmem:s25+$0x1AC0] =	vst v0;
	v0 =	vadd.f32 v33, v56  }
0x127: {  	v59 =	vld [tilespmem:s25+$0x1B40];
	[tilespmem:s25+$0x1AD0] =	vst v13;
	v13 =	vadd.f32 v32, v57  }
0x128: {  	[tilespmem:s25+$0x1AE0] =	vst v0;
	v0 =	vadd.f32 v31, v14;
	v14 =	vld [tilespmem:s25+$0x1B50]  }
0x129: {  	[tilespmem:s25+$0x1AF0] =	vst v13;
	v13 =	vadd.f32 v30, v15;
	v15 =	vld [tilespmem:s25+$0x1B60]  }
0x12a: {  	[tilespmem:s25+$0x1B00] =	vst v0;
	v0 =	vadd.f32 v29, v16;
	v16 =	vld [tilespmem:s25+$0x1B70]  }
0x12b: {  	v60 =	vld [tilespmem:s25+$0x1B80];
	[tilespmem:s25+$0x1B10] =	vst v13;
	v13 =	vadd.f32 v28, v58  }
0x12c: {  	v61 =	vld [tilespmem:s25+$0x1B90];
	[tilespmem:s25+$0x1B20] =	vst v0;
	v0 =	vadd.f32 v27, v59  }
0x12d: {  	[tilespmem:s25+$0x1B30] =	vst v13;
	v13 =	vadd.f32 v26, v14;
	v14 =	vld [tilespmem:s25+$0x1BA0]  }
0x12e: {  	[tilespmem:s25+$0x1B40] =	vst v0;
	v0 =	vadd.f32 v25, v15;
	v15 =	vld [tilespmem:s25+$0x1BB0]  }
0x12f: {  	[tilespmem:s25+$0x1B50] =	vst v13;
	v13 =	vadd.f32 v24, v16;
	v16 =	vld [tilespmem:s25+$0x1BC0]  }
0x130: {  	v62 =	vld [tilespmem:s25+$0x1BD0];
	[tilespmem:s25+$0x1B60] =	vst v0;
	v0 =	vadd.f32 v23, v60  }
0x131: {  	v63 =	vld [tilespmem:s25+$0x1BE0];
	[tilespmem:s25+$0x1B70] =	vst v13;
	v13 =	vadd.f32 v22, v61  }
0x132: {  	v10 =	vld [tilespmem:s25+$0xBC20];
	[tilespmem:s25+$0x1B80] =	vst v0;
	v0 =	vadd.f32 v21, v14  }
0x133: {  	[tilespmem:s25+$0x1B90] =	vst v13;
	v13 =	vadd.f32 v20, v15;
	v15 =	vld [tilespmem:s25+$0x1C00]  }
0x134: {  	v11 =	vld [tilespmem:s25+$0xBC40];
	[tilespmem:s25+$0x1BA0] =	vst v0;
	v0 =	vadd.f32 v19, v16  }
0x135: {  	[tilespmem:s25+$0x1BB0] =	vst v13;
	v13 =	vadd.f32 v18, v62;
	v18 =	vld [tilespmem:s25+$0x1C20]  }
0x136: {  	v14 =	vld [tilespmem:s25+$0x1BF0];
	[tilespmem:s25+$0x1BC0] =	vst v0;
	v0 =	vadd.f32 v6, v63  }
0x137: {  	[tilespmem:s25+$0x1BD0] =	vst v13;
	v13 =	vld [tilespmem:s25+$0x1C40]  }
0x138: {  	v16 =	vld [tilespmem:s25+$0x1C10];
	[tilespmem:s25+$0x1BE0] =	vst v0;
	v0 =	vadd.f32 v8, v15  }
0x139: {  	v12 =	vld [tilespmem:s25+$0xBC30]  }
0x13a: {  	v6 =	vld [tilespmem:s25+$0x1C30];
	[tilespmem:s25+$0x1C00] =	vst v0;
	v0 =	vadd.f32 v10, v18  }
0x13b: {  	v5 =	vld [tilespmem:s25+$0xBCA0];
	v7 =	vadd.f32 v7, v14  }
0x13c: {  	v4 =	vld [tilespmem:s25+$0xBCB0];
	[tilespmem:s25+$0x1C20] =	vst v0;
	v0 =	vadd.f32 v11, v13  }
0x13d: {  	[tilespmem:s25+$0x1BF0] =	vst v7;
	v7 =	vadd.f32 v9, v16;
	v9 =	vld [tilespmem:s25+$0x1C60]  }
0x13e: {  	[tilespmem:s25+$0x1C40] =	vst v0;
	v0 =	vld [tilespmem:$0x1FF60]  }
0x13f: {  	v3 =	vld [tilespmem:s25+$0xBCC0];
	v6 =	vadd.f32 v12, v6  }
0x140: {  	v8 =	vld [tilespmem:s25+$0x1C50]  }
0x141: {  	[tilespmem:s25+$0x1C30] =	vst v6;
	v6 =	vld [tilespmem:$0x1FF50]  }
0x142: {  	v2 =	vld [tilespmem:s25+$0xBCD0]  }
0x143: {  	v1 =	vld [tilespmem:s25+$0xBCE0];
	v0 =	vadd.f32 v0, v9  }
0x144: {  	[tilespmem:s25+$0x1C10] =	vst v7;
	v7 =	vld [tilespmem:s25+$0x1C80]  }
0x145: {  	[tilespmem:s25+$0x1C60] =	vst v0;
	v0 =	vld [tilespmem:$0x1FF80]  }
0x146: {  	v17 =	vld [tilespmem:s25+$0xBCF0];
	v6 =	vadd.f32 v6, v8  }
0x147: {  	v14 =	vld [tilespmem:s25+$0x1C70]  }
0x148: {  	[tilespmem:s25+$0x1C50] =	vst v6;
	v6 =	vld [tilespmem:$0x1FF70]  }
0x149: {  	v13 =	vld [tilespmem:s25+$0x1C90]  }
0x14a: {  	p0 =	sne.s32 s26, $0x27000;
	v12 =	vadd.f32 v0, v7;
	v0 =	vld [tilespmem:$0x1FF90]  }
.Ltmp0:
0x14b: {  	v10 =	vld [tilespmem:s25+$0x1CB0];
	(pc) =	sbr.rel @p0 .LBB2_3-.Ltmp0, $4  }
0x14c: {  	v11 =	vld [tilespmem:s25+$0x1CA0]  }
0x14d: {  	v8 =	vld [tilespmem:s25+$0x1CD0];
	v6 =	vadd.f32 v6, v14  }
0x14e: {  	v9 =	vld [tilespmem:s25+$0x1CC0]  }
0x14f: {  	s26 =	sadd.s32 $0x1000, s26;
	[tilespmem:s25+$0x1C70] =	vst v6;
	v6 =	vld [tilespmem:s25+$0x1CE0];
	v7 =	vadd.f32 v0, v13  }
0x150: {  	[tilespmem:s25+$0x1C80] =	vst v12;
	v60 =	vld [tilespmem:s25+$0x1CF0];
	v4 =	vadd.f32 v4, v10  }
0x151: {  	v0 =	vadd.f32 v5, v11;
	[tilespmem:s25+$0x1C90] =	vst v7  }
0x152: {  	[tilespmem:s25+$0x1CB0] =	vst v4;
	v2 =	vadd.f32 v2, v8  }
0x153: {  	s26 =	smul.u32 $0x280, s24;
	[tilespmem:s25+$0x1CA0] =	vst v0;
	v61 =	vadd.f32 v3, v9  }
0x154: {  	v62 =	vadd.f32 v1, v6;
	[tilespmem:s25+$0x1CD0] =	vst v2  }
0x155: {  	s24 =	sadd.s32 $0x1, s24;
	s26 =	sadd.s32 s4, s26;
	[tilespmem:s25+$0x1CC0] =	vst v61;
	v63 =	vadd.f32 v17, v60  }
0x156: {  	p0 =	sne.s32 s24, $0xA;
	s26 =	sshll.u32 s26, $0x3;
	[tilespmem:s25+$0x1CE0] =	vst v62  }
.Ltmp1:
0x157: {  	s31 =	sadd.s32 s2, s26;
	[tilespmem:s25+$0x1CF0] =	vst v63;
	(pc) =	sbr.rel @p0 .LBB2_2-.Ltmp1, $4  }
0x158: {  	[hbm4b:s31+s3] =	stream.linear.scatter [tilespmem:s11], [sflag:$0x3], $0xA000, $0x38;
	[tilespmem:$0x15900] =	vst v63  }
0x159: {  	_ =	swait.ge [sflag:s9], $0xA000  }
0x15a: {  	[sflag:s9] =	ssyncset.done $0x0  }
0x15b: {  	[sflag:s9] =	ssyncadd.s32 $0xFFFF6000  }
0x15c: {  	s23 =	sadd.s32 $0x1, s23  }
0x15d: {  	p0 =	sne.s32 s23, s8  }
.Ltmp2:
0x15e: {  	_ = 	snop;
	(pc) =	sbr.rel @p0 .LBB2_1-.Ltmp2, $1  }
0x15f: {  	_ =	sdelay $0x3  }
0x160: {  	_ =	sfence.sel $0x180000  }
0x161: {  	[bflag:$0x0] =	sbarrier.arrive $0xFFFF  }
0x162: {  	p0 =	sne.s32 s0, $0x0;
	_ =	strace $0x90000047  }
0x163: {  	s0 =	sadd.s32 @!p0 $0x100000, s1;
	[bflag:$0x2] =	sbarrier.arrive $0xFFFF  }
0x164: {  	[sflag:s0] =	ssyncadd.tile.s32 @!p0 $0x1;
	_ =	shalt  }
.Lfunc_end2:
_tile_overlayer_lowered:
.L_overlay_start_2:
0x165: {  	(tag) =	ssettag $0x2  }
0x166: {  	s0 =	rddreg [dreg:$0x0];
	s2 =	stileid.u32  }
0x167: {  	s1 =	rddreg [dreg:$0x1];
	p0 =	sne.s32 s2, $0x0  }
0x168: {  	s3 =	rddreg [dreg:$0x2];
	[bflag:$0x3] =	sbarrier.arrive $0xFFFF;
	s2 =	simm.s32 @!p0 $0x1C03  }
0x169: {  	[timem:s3], [sflag:s2] =	dma.local @!p0 [hbm:s0], s1  }
0x16a: {  	s0 =	simm.s32 @!p0 $0x3  }
0x16b: {  	_ =	swait.ge @!p0 [sflag:s0], s1  }
0x16c: {  	s1 =	ssub.s32 @!p0 $0x0, s1;
	[sflag:s0] =	ssyncset.done @!p0 $0x0  }
0x16d: {  	[sflag:s0] =	ssyncadd.s32 @!p0 s1  }
0x16e: {  	[bflag:$0x3] =	sbarrier.arrive $0xFFFF  }
0x16f: {  	_ =	shalt  }

// kernel: sparse-core-data-format-call.cloned.1.call-start
scs
called_computation_lowered:
.L_overlay_start_0:
0x0: {  	s2 =	sld [smem:$0x3FD9]  }
0x1: {  	s3 =	sld [smem:$0x3FFE];
	_ =	sdelay $0x1  }
0x2: {  	s1 =	srdreg.scid  }
0x3: {  	s0 =	sand.u32 $0x1, s1  }
0x4: {  	s18 =	sshll.u32 s0, $0xA;
	s2 =	sadd.s32 s3, s2  }
0x5: {  	s2 =	sadd.s32 s2, s18  }
0x6: {  	[smem:$0x3FC5] =	sst s2  }
0x7: {  	_ = 	snop  }
0x8: {  	s2 =	sld [smem:$0x3FD0];
	(tm) =	ssettm $0x1  }
0x9: {  	s19 =	sld [smem:$0x3FFB];
	_ =	sdelay $0x3  }
0xa: {  	_ =	strace s19  }
0xb: {  	s3 =	sld [smem:$0x3FFC];
	_ =	sdelay $0x3  }
0xc: {  	_ =	strace s3  }
0xd: {  	s3 =	sld [smem:$0x3FFD];
	_ =	sdelay $0x3  }
0xe: {  	_ =	strace s3  }
0xf: {  	_ =	strace $0x8FFFFFFF  }
0x10: {  	s20 =	sld [smem:$0x3FDB];
	_ =	sdelay $0x1  }
0x11: {  	s4 =	simm.s32 $_scs_section_size  }
0x12: {  	s5 =	simm.s32 $_size__tile_overlayer_lowered;
	s6 =	simm.s32 $_tile_overlayer_lowered  }
0x13: {  	s23 =	simm.s32 $0x1BFF;
	s22 =	sshll.u32 s6, $0x1;
	s3 =	sadd.s32 s4, s20  }
0x14: {  	s7 =	simm.s32 $0x0;
	s21 =	sshll.u32 s5, $0x1;
	s5 =	sadd.s32 s22, s3  }
0x15: {  	[timem:s7], [sflag:s23] =	dma.local [hbm:s5], s21  }
0x16: {  	_ =	swait.ge [sflag:s23], s21  }
0x17: {  	s4 =	ssub.s32 $0x0, s21;
	[sflag:s23] =	ssyncset.done $0x0  }
0x18: {  	[sflag:s23] =	ssyncadd.s32 s4;
	_ =	sdelay $0x1  }
0x19: {  	s24 =	simm.s32 $0x1B8B  }
0x1a: {  	_ =	swait.ge [sflag:s24], $0x1  }
0x1b: {  	[sflag:s24] =	ssyncset.done $0x0  }
0x1c: {  	s26 =	simm.s32 $0x1B8E;
	s25 =	sld [smem:$0x3FFE];
	[sflag:s24] =	ssyncadd.s32 $0xFFFFFFFF  }
0x1d: {  	s27 =	simm.s32 $execute0_lowered;
	[smem:$0x3FD2] =	sst s26  }
0x1e: {  	s5 =	sshll.u32 s27, $0x1;
	_ =	strace $0x80000049;
	[dreg:$0x1] =	wrdreg $0xFFFFFFFF  }
0x1f: {  	s28 =	simm.s32 $_size_execute0_lowered;
	s3 =	sadd.s32 s3, s5;
	[dreg:$0x0] =	wrdreg $0x0  }
0x20: {  	s5 =	sshll.u32 s28, $0x1;
	[dreg:$0x2] =	wrdreg s3  }
0x21: {  	[dreg:$0x3] =	wrdreg s5  }
0x22: {  	[dreg:$0x4] =	wrdreg $0xC0  }
0x23: {  	_ =	task [dreg:s7], $0x5FFFF  }
0x24: {  	[dreg:$0x1] =	wrdreg $0xFFFFFFFF  }
0x25: {  	[dreg:$0x0] =	wrdreg $0x60  }
0x26: {  	[dreg:$0x2] =	wrdreg s25  }
0x27: {  	[dreg:$0x3] =	wrdreg s2  }
0x28: {  	[dreg:$0x4] =	wrdreg $0x9  }
0x29: {  	_ =	task.clear_ibuf [dreg:s7], $0x5FFFF;
	_ =	strace $0x90000049  }
0x2a: {  	s29 =	simm.s32 $0x9;
	_ =	strace $0x8000004B  }
0x2b: {  	_ =	swait.ge [sflag:s29], $0x1  }
0x2c: {  	[sflag:s29] =	ssyncadd.s32 $0xFFFFFFFF  }
0x2d: {  	_ =	strace $0x9000004B  }
0x2e: {  	_ =	sfence  }
0x2f: {  	s30 =	sld [smem:$0x0];
	_ =	sdelay $0x2  }
0x30: {  	s31 =	sshll.u32 s1, $0xD;
	s1 =	sshrl.u32 s1, $0x2  }
0x31: {  	s3 =	sand.u32 $0x4000, s31;
	s1 =	sadd.s32 s1, s30  }
0x32: {  	s0 =	sor.u32 s3, s0;
	s1 =	sshll.u32 s1, $0x11  }
0x33: {  	s0 =	sor.u32 s1, s0  }
0x34: {  	s0 =	sadd.s32 $0x8F2B, s0  }
0x35: {  	[sflag:s0] =	ssyncadd.remote.s32 $0x1  }
0x36: {  	_ =	sfence.sel $0xFFFF  }
0x37: {  	[dreg:$0x0] =	wrdreg $0xFFFFFFFF;
	(pc) =	sbr.abs _section_cstart, $3  }
0x38: {  	[dreg:$0x1] =	wrdreg $0xFFFFFFFF  }
0x39: {  	_ =	task.clear_ibuf [dreg:s7], $0x2FFFF;
	_ =	strace $0x9FFFFFFF  }
0x3a: {  	(tm) =	ssettm $0x7FFFFFFF  }
0x3b: {  	_ =	shalt  }
tec
execute0_lowered:
.L_overlay_start_1:
0x0: {  	(tag) =	ssettag $0x1  }
0x1: {  	s0 =	srdreg.scid  }
0x2: {  	s1 =	sshll.u32 s0, $0x4  }
0x3: {  	s0 =	stileid.u32;
	s1 =	sand.u32 $0x10, s1  }
0x4: {  	s1 =	sor.u32 s0, s1  }
0x5: {  	s6 =	rddreg [dreg:$0x0];
	s4 =	simm.s32 $0x1;
	s2 =	sshll.u32 s1, $0x7  }
0x6: {  	s7 =	simm.s32 $0x2;
	s12 =	simm.s32 $0x0;
	s1 =	ssub.s32 $0x1000, s2  }
0x7: {  	s8 =	simm.s32 $0x8000;
	s13 =	simm.s32 $0x0;
	s3 =	sand.u32 $0xF80, s1  }
0x8: {  	s9 =	simm.s32 $0x0;
	s5 =	sshrl.u32 s1, $0xC;
	p0 =	sne.s32 s3, $0x0  }
.Ltmp0:
0x9: {  	s1 =	rddreg [dreg:$0x2];
	s4 =	simm.s32 @!p0 $0x0;
	(pc) =	sbr.rel .LBB1_1-.Ltmp0, $4  }
0xa: {  	s11 =	simm.s32 $0x0;
	s3 =	rddreg [dreg:$0x1];
	s5 =	sadd.s32 s4, s5  }
0xb: {  	_ =	strace $0x8000004A;
	s4 =	simm.s32 $0x1;
	s5 =	smul.u32 $0x32, s5  }
0xc: {  	s6 =	sadd.s32 $0xA00, s6;
	s10 =	smov.u32 s2;
	[sflag:s4] =	ssyncpa.u1 $0x0  }
0xd: {  	p0 =	por $0x0, $0x0;
	[sflag:s7] =	ssyncpa.u1 $0x0;
	s7 =	sor.u32 $0x1, s5  }
.LBB1_4:
0xe: {  	s16 =	sshll.u32 s13, $0x3;
	s17 =	sand.u32 $0x78, s13  }
0xf: {  	s30 =	sand.u32 $0x7E00, s13;
	s12 =	sshll.u32 s12, $0xF;
	s16 =	sand.u32 $0xC00, s16  }
0x10: {  	[tilespmem:s15+$0x810 ss:$0x81] =	vst.msk $0xffff, v2;
	s31 =	sand.u32 $0x7, s13;
	s16 =	sor.u32 s17, s16;
	s17 =	sadd.s32 s3, s30  }
0x11: {  	[tilespmem:s15+$0x1020 ss:$0x81] =	vst.msk $0xffff, v0;
	s13 =	sshll.u32 s31, $0x12;
	s12 =	sadd.s32 s12, s17;
	s16 =	sshrl.u32 s16, $0x3  }
0x12: {  	[tilespmem:s15+$0x0 ss:$0x81] =	vst.msk $0xffff, v1;
	s13 =	sor.u32 $0x400, s13;
	s12 =	sadd.s32 s16, s12  }
0x13: {  	[hbm4b:s12+s13] =	stream.strided.scatter [tilespmem:s14], [sflag:$0x2], $0x2000, s8, s13, $0x20;
	[tilespmem:$0x8080] =	vst v63  }
.LBB1_5:
0x14: {  	s14 =	sadd.s32 $0x1, s9  }
0x15: {  	s12 =	sadd.s32 $0x1000, s10;
	s16 =	smov.u32 s10;
	p2 =	sgt.s32 s14, $0x31  }
0x16: {  	s16 =	smov.u32 @p2 s12  }
0x17: {  	s14 =	simm.s32 @p2 $0x0;
	p2 =	sgt.s32 s16, $0xFFF  }
0x18: {  	s16 =	smov.u32 @p2 s2;
	p2 =	sne.s32 s11, s7  }
.Ltmp1:
0x19: {  	p1 =	slt.u32 s11, $0x2;
	(pc) =	sbr.rel @!p2 .LBB1_6-.Ltmp1, $4  }
0x1a: {  	s15 =	simm.s32 @!p1 $0x2  }
0x1b: {  	s13 =	smov.u32 s10;
	p0 =	por !p0, !p0;
	_ =	swait.ge @!p1 [sflag:s15], $0x2000  }
0x1c: {  	s12 =	smov.u32 s9;
	[sflag:s15] =	ssyncset.done @!p1 $0x0;
	s9 =	smov.u32 s14  }
0x1d: {  	s11 =	sadd.s32 $0x1, s11;
	[sflag:s15] =	ssyncadd.s32 @!p1 $0xFFFFE000;
	s10 =	smov.u32 s16  }
.LBB1_1:
0x1e: {  	p1 =	sge.u32 s11, s5  }
0x1f: {  	s14 =	sand.u32 @!p1 $0x1FFFFFF, s9  }
0x20: {  	s15 =	smulhi.u32 @!p1 $0x4924925, s14;
	_ =	sdelay $0x1  }
0x21: {  	s15 =	smul.u32 @!p1 $0x38, s15  }
0x22: {  	s16 =	sxor.u32 @!p1 $0xFFFFFFFF, s11;
	s17 =	smul.u32 @!p1 $0x380, s10  }
0x23: {  	s31 =	sadd.s32 $0xFFFFFFFF, s11;
	s16 =	sshll.u32 @!p1 s16, $0xD;
	s14 =	ssub.s32 @!p1 s14, s15  }
0x24: {  	s15 =	sand.u32 @!p1 $0x2000, s16;
	s16 =	sadd.s32 @!p1 s6, s17;
	s14 =	sshll.u32 @!p1 s14, $0x4  }
0x25: {  	s17 =	simm.s32 @!p1 $0x1C00;
	s14 =	sadd.s32 @!p1 s14, s16;
	s16 =	simm.s32 @!p1 $0x40  }
0x26: {  	[tilespmem:s15], [sflag:$0x1] =	stream.strided.gather @!p1 [hbm4b:s14+s16], $0x2000, s17, s16, $0x38;
	[tilespmem:$0x8080] =	vst v63  }
0x27: {  	p1 =	sge.u32 s31, s5  }
.Ltmp2:
0x28: {  	_ = 	snop;
	(pc) =	sbr.rel @p1 .LBB1_5-.Ltmp2, $1  }
0x29: {  	_ =	sdelay $0x3  }
0x2a: {  	s14 =	simm.s32 $0x1  }
0x2b: {  	_ =	swait.ge [sflag:s4], $0x2000;
	s14 =	simm.s32 @!p0 $0x0  }
0x2c: {  	[sflag:s4] =	ssyncset.done $0x0;
	s15 =	sshll.u32 s14, $0xD  }
0x2d: {  	[sflag:s4] =	ssyncadd.s32 $0xFFFFE000;
	s18 =	sor.u32 $0x20, s15  }
0x2e: {  	s14 =	smul.u32 $0x8100, s14;
	v3 =	vld [tilespmem:s18+$0x10]  }
0x2f: {  	s30 =	sand.u32 $0x1, s11;
	v2 =	vld [tilespmem:s18+$0xFFFFFFF0]  }
0x30: {  	s15 =	smul.u32 $0x8100, s30;
	s14 =	sshrl.u32 s14, $0x2;
	v0 =	vld [tilespmem:s18+$0x0]  }
0x31: {  	v1 =	vld [tilespmem:s18+$0xFFFFFFE0];
	s16 =	sor.u32 $0x4000, s14  }
0x32: {  	s31 =	sshrl.u32 s15, $0x2;
	s15 =	sadd.s32 $0x0, s16  }
0x33: {  	s17 =	simm.s32 $0x4;
	s18 =	sadd.s32 $0x40, s18;
	s14 =	sor.u32 $0x4000, s31;
	[tilespmem:s15+$0x1830 ss:$0x81] =	vst.msk $0xffff, v3  }
.LBB1_3:
0x34: {  	v3 =	vld [tilespmem:s18+$0x10];
	p1 =	sne.s32 s17, $0x1FC;
	[tilespmem:s15+$0x810 ss:$0x81] =	vst.msk $0xffff, v2;
	s19 =	smov.u32 s17;
	s17 =	sadd.s32 $0x4, s17  }
.Ltmp3:
0x35: {  	v2 =	vld [tilespmem:s18+$0xFFFFFFF0];
	[tilespmem:s15+$0x1020 ss:$0x81] =	vst.msk $0xffff, v0;
	(pc) =	sbr.rel @p1 .LBB1_3-.Ltmp3, $4  }
0x36: {  	v0 =	vld [tilespmem:s18+$0x0];
	[tilespmem:s15+$0x0 ss:$0x81] =	vst.msk $0xffff, v1  }
0x37: {  	s15 =	sshra.s32 s19, $0x2;
	v1 =	vld [tilespmem:s18+$0xFFFFFFE0]  }
0x38: {  	s15 =	sadd.s32 s15, s16  }
0x39: {  	s18 =	sadd.s32 $0x40, s18;
	[tilespmem:s15+$0x1830 ss:$0x81] =	vst.msk $0xffff, v3  }
.Ltmp4:
0x3a: {  	_ = 	snop;
	(pc) =	sbr.rel .LBB1_4-.Ltmp4, $1  }
0x3b: {  	_ =	sdelay $0x3  }
.LBB1_6:
0x3c: {  	_ =	sfence.sel $0x180000  }
0x3d: {  	s2 =	simm.s32 $0x1;
	[bflag:$0x0] =	sbarrier.arrive $0xFFFF  }
0x3e: {  	s31 =	simm.s32 $0x2;
	[sflag:s2] =	ssyncpa.u1 $0x1  }
0x3f: {  	[sflag:s31] =	ssyncpa.u1 $0x1  }
0x40: {  	p0 =	sne.s32 s0, $0x0;
	_ =	strace $0x9000004A  }
0x41: {  	s0 =	sadd.s32 @!p0 $0x100000, s1;
	[bflag:$0x2] =	sbarrier.arrive $0xFFFF  }
0x42: {  	[sflag:s0] =	ssyncadd.tile.s32 @!p0 $0x1;
	_ =	shalt  }
.Lfunc_end1:
_tile_overlayer_lowered:
.L_overlay_start_2:
0x43: {  	(tag) =	ssettag $0x2  }
0x44: {  	s0 =	rddreg [dreg:$0x0];
	s2 =	stileid.u32  }
0x45: {  	s1 =	rddreg [dreg:$0x1];
	p0 =	sne.s32 s2, $0x0  }
0x46: {  	s3 =	rddreg [dreg:$0x2];
	[bflag:$0x3] =	sbarrier.arrive $0xFFFF;
	s2 =	simm.s32 @!p0 $0x1C01  }
0x47: {  	[timem:s3], [sflag:s2] =	dma.local @!p0 [hbm:s0], s1  }
0x48: {  	s0 =	simm.s32 @!p0 $0x1  }
0x49: {  	_ =	swait.ge @!p0 [sflag:s0], s1  }
0x4a: {  	s1 =	ssub.s32 @!p0 $0x0, s1;
	[sflag:s0] =	ssyncset.done @!p0 $0x0  }
0x4b: {  	[sflag:s0] =	ssyncadd.s32 @!p0 s1  }
0x4c: {  	[bflag:$0x3] =	sbarrier.arrive $0xFFFF  }
0x4d: {  	_ =	shalt  }

</sc_bundles>
